<compile_context>
chip_gen: v7x
topology: tpu7x:2x2x1
jax: 0.10.2.dev20260603
libtpu: 0.0.44.dev20260713+nightly
codegen_flags: <defaults>
</compile_context>

<pallas_src>
import functools

import jax
import jax.numpy as jnp
from jax import lax
from jax.experimental import pallas as pl
from jax.experimental.pallas import tpu as pltpu
from jax.experimental.pallas import tpu_sc as plsc

N = 10000
E = 320000
H = 32
G = 128
C = 10
NW = 32
NP = 10112
RPT = NP // 16
CH = 128
EPW = E // NW
STEPS = -(-EPW // CH)
EPAD = STEPS * CH
DW = 8

_mesh = plsc.VectorSubcoreMesh(core_axis_name="c", subcore_axis_name="s")


@functools.partial(
    pl.kernel,
    mesh=_mesh,
    out_type=jax.ShapeDtypeStruct((2, NP, DW), jnp.float32),
    compiler_params=pltpu.CompilerParams(use_tc_tiling_on_sc=False),
    scratch_types=[
        pltpu.VMEM((STEPS, CH), jnp.int32),
        pltpu.VMEM((CH, DW), jnp.float32),
        pltpu.VMEM_SHARED((NP, DW), jnp.float32),
        pltpu.SemaphoreType.DMA((4,)),
        pltpu.SemaphoreType.DMA((3,)),
    ],
)
def _deg_kernel(dst_hbm, ones_hbm, zeros_hbm, out_hbm, didx, ones_v, acc,
                ssem, psem):
    c = lax.axis_index("c")
    s = lax.axis_index("s")
    w = s * 2 + c
    pltpu.async_copy(dst_hbm.at[w], didx, psem.at[0])
    pltpu.async_copy(ones_hbm, ones_v, psem.at[1])
    pltpu.async_copy(zeros_hbm, acc.at[pl.ds(s * RPT, RPT)], psem.at[2])
    pltpu.make_async_copy(dst_hbm.at[w], didx, psem.at[0]).wait()
    pltpu.make_async_copy(ones_hbm, ones_v, psem.at[1]).wait()
    pltpu.make_async_copy(zeros_hbm, acc.at[pl.ds(s * RPT, RPT)],
                          psem.at[2]).wait()
    plsc.subcore_barrier()

    def body(j, carry):
        pltpu.async_copy(ones_v, acc.at[didx.at[j]], ssem.at[lax.rem(j, 4)],
                         add=True)

        @pl.when(j >= 3)
        def _():
            pltpu.make_async_copy(ones_v, acc.at[didx.at[j - 3]],
                                  ssem.at[lax.rem(j - 3, 4)]).wait()

        return carry

    lax.fori_loop(0, STEPS, body, 0)
    for t in range(STEPS - 3, STEPS):
        pltpu.make_async_copy(ones_v, acc.at[didx.at[t]],
                              ssem.at[t % 4]).wait()
    plsc.subcore_barrier()
    pltpu.sync_copy(acc.at[pl.ds(s * RPT, RPT)], out_hbm.at[c, pl.ds(s * RPT, RPT)])


@functools.partial(
    pl.kernel,
    mesh=_mesh,
    out_type=jax.ShapeDtypeStruct((2, NP, H), jnp.float32),
    compiler_params=pltpu.CompilerParams(use_tc_tiling_on_sc=False),
    scratch_types=[
        pltpu.VMEM((STEPS, CH), jnp.int32),
        pltpu.VMEM((STEPS, CH), jnp.int32),
        pltpu.VMEM((4, CH, H), jnp.float32),
        pltpu.VMEM_SHARED((NP, H), jnp.float32),
        pltpu.SemaphoreType.DMA((4,)),
        pltpu.SemaphoreType.DMA((4,)),
        pltpu.SemaphoreType.DMA((3,)),
    ],
)
def _agg_kernel(hs_hbm, src_hbm, dst_hbm, zeros_hbm, out_hbm,
                sidx, didx, gbuf, acc, gsem, ssem, psem):
    c = lax.axis_index("c")
    s = lax.axis_index("s")
    w = s * 2 + c
    pltpu.async_copy(src_hbm.at[w], sidx, psem.at[0])
    pltpu.async_copy(dst_hbm.at[w], didx, psem.at[1])
    pltpu.async_copy(zeros_hbm, acc.at[pl.ds(s * RPT, RPT)], psem.at[2])
    pltpu.make_async_copy(src_hbm.at[w], sidx, psem.at[0]).wait()
    pltpu.make_async_copy(dst_hbm.at[w], didx, psem.at[1]).wait()
    for p in range(3):
        pltpu.async_copy(hs_hbm.at[sidx.at[p]], gbuf.at[p], gsem.at[p])
    pltpu.make_async_copy(zeros_hbm, acc.at[pl.ds(s * RPT, RPT)],
                          psem.at[2]).wait()
    plsc.subcore_barrier()

    def body(j, carry):
        jm = lax.rem(j, 4)
        pltpu.make_async_copy(hs_hbm.at[sidx.at[j]], gbuf.at[jm], gsem.at[jm]).wait()
        pltpu.async_copy(gbuf.at[jm], acc.at[didx.at[j]], ssem.at[jm], add=True)

        @pl.when(j >= 1)
        def _():
            pm = lax.rem(j - 1, 4)
            pltpu.make_async_copy(gbuf.at[pm], acc.at[didx.at[j - 1]],
                                  ssem.at[pm]).wait()

        @pl.when(j + 3 < STEPS)
        def _():
            nm = lax.rem(j + 3, 4)
            pltpu.async_copy(hs_hbm.at[sidx.at[j + 3]], gbuf.at[nm], gsem.at[nm])

        return carry

    lax.fori_loop(0, STEPS, body, 0)
    pltpu.make_async_copy(gbuf.at[(STEPS - 1) % 4],
                          acc.at[didx.at[STEPS - 1]],
                          ssem.at[(STEPS - 1) % 4]).wait()
    plsc.subcore_barrier()
    pltpu.sync_copy(acc.at[pl.ds(s * RPT, RPT)], out_hbm.at[c, pl.ds(s * RPT, RPT)])


def _first_tc(x, W0, degp):
    def body(x_ref, w_ref, deg_ref, hs_ref, d_ref):
        deg = deg_ref[0, :, 0:1] + deg_ref[1, :, 0:1] + 1.0
        dv = lax.rsqrt(deg)
        d_ref[...] = dv
        h = jnp.dot(x_ref[...], w_ref[...], preferred_element_type=jnp.float32)
        hs_ref[...] = dv[:N] * h

    return pl.pallas_call(
        body,
        out_shape=(jax.ShapeDtypeStruct((N, H), jnp.float32),
                   jax.ShapeDtypeStruct((NP, 1), jnp.float32)),
    )(x, W0, degp)


def _mid_tc(part, hsp, d, b, W):
    def body(p_ref, hs_ref, d_ref, b_ref, w_ref, o_ref):
        dv = d_ref[0:N]
        agg = p_ref[0, :N] + p_ref[1, :N] + hs_ref[...]
        h = jnp.maximum(dv * agg + b_ref[...], 0.0)
        o_ref[...] = dv * jnp.dot(h, w_ref[...], preferred_element_type=jnp.float32)

    return pl.pallas_call(
        body, out_shape=jax.ShapeDtypeStruct((N, H), jnp.float32),
    )(part, hsp, d, b, W)


def _final_tc(part, hsp, d, b, batch, lin_W, lin_b):
    def body(p_ref, hs_ref, d_ref, b_ref, bat_ref, lw_ref, lb_ref, o_ref):
        dv = d_ref[0:N]
        agg = p_ref[0, :N] + p_ref[1, :N] + hs_ref[...]
        h = jnp.maximum(dv * agg + b_ref[...], 0.0)
        oh = (bat_ref[...] == lax.broadcasted_iota(jnp.int32, (1, G), 1))
        oh = oh.astype(jnp.float32)
        sums = lax.dot_general(oh, h, (((0,), (0,)), ((), ())),
                               preferred_element_type=jnp.float32)
        counts = jnp.sum(oh, axis=0)[:, None]
        pooled = sums / jnp.maximum(counts, 1.0)
        logits = jnp.dot(pooled, lw_ref[...], preferred_element_type=jnp.float32)
        logits = jnp.maximum(logits + lb_ref[...], 0.0)
        m = jnp.max(logits, axis=1, keepdims=True)
        lse = m + jnp.log(jnp.sum(jnp.exp(logits - m), axis=1, keepdims=True))
        o_ref[...] = logits - lse

    return pl.pallas_call(
        body, out_shape=jax.ShapeDtypeStruct((G, C), jnp.float32),
    )(part, hsp, d, b, batch, lin_W, lin_b)


def kernel(x, edge_index, batch, W0, b0, W1, b1, W2, b2, lin_W, lin_b):
    src = edge_index[0].astype(jnp.int32)
    dst = edge_index[1].astype(jnp.int32)
    srcr = jnp.pad(src.reshape(NW, EPW),
                   ((0, 0), (0, EPAD - EPW))).reshape(NW, STEPS, CH)
    dstr = jnp.pad(dst.reshape(NW, EPW), ((0, 0), (0, EPAD - EPW)),
                   constant_values=NP - 8).reshape(NW, STEPS, CH)
    zeros_h = jnp.zeros((RPT, H), jnp.float32)
    zeros_d = jnp.zeros((RPT, DW), jnp.float32)
    ones_d = jnp.ones((CH, DW), jnp.float32)

    degp = _deg_kernel(dstr, ones_d, zeros_d)
    hs0, d = _first_tc(x, W0, degp)
    part0 = _agg_kernel(hs0, srcr, dstr, zeros_h)
    hs1 = _mid_tc(part0, hs0, d, b0.reshape(1, H), W1)
    part1 = _agg_kernel(hs1, srcr, dstr, zeros_h)
    hs2 = _mid_tc(part1, hs1, d, b1.reshape(1, H), W2)
    part2 = _agg_kernel(hs2, srcr, dstr, zeros_h)
    return _final_tc(part2, hs2, d, b2.reshape(1, H),
                     batch.astype(jnp.int32).reshape(N, 1), lin_W, lin_b)

# --- scband reference (transcript-rebuilt; emitter-appended) ---
"""Pipeline reference for scband-gcn-30253749633693 (READ-ONLY COPY).

The authoritative reference and input builder live on the scoring server;
editing this copy changes nothing except your own understanding.
"""

import jax, jax.numpy as jnp
import numpy as np

NUM_NODES = 10000
NUM_EDGES = 320000
NUM_FEATURES = 128
HIDDEN = 32
NUM_CLASSES = 10
NUM_GRAPHS = 128


def setup_inputs(seed: int = 0) -> dict:
    key = jax.random.key(seed)
    ks = jax.random.split(key, 12)
    x = jax.random.normal(ks[0], (NUM_NODES, NUM_FEATURES), dtype=jnp.float32)
    edge_index = jax.random.randint(ks[1], (2, NUM_EDGES), 0, NUM_NODES, dtype=jnp.int64)
    batch = jnp.sort(jax.random.randint(ks[2], (NUM_NODES,), 0, NUM_GRAPHS, dtype=jnp.int64))
    def glorot(k, fan_in, fan_out):
        lim = jnp.sqrt(6.0 / (fan_in + fan_out))
        return jax.random.uniform(k, (fan_in, fan_out), dtype=jnp.float32, minval=-lim, maxval=lim)
    W0 = glorot(ks[3], NUM_FEATURES, HIDDEN)
    b0 = jnp.zeros((HIDDEN,), dtype=jnp.float32)
    W1 = glorot(ks[4], HIDDEN, HIDDEN)
    b1 = jnp.zeros((HIDDEN,), dtype=jnp.float32)
    W2 = glorot(ks[5], HIDDEN, HIDDEN)
    b2 = jnp.zeros((HIDDEN,), dtype=jnp.float32)
    lin_W = glorot(ks[6], HIDDEN, NUM_CLASSES)
    lin_b = jnp.zeros((NUM_CLASSES,), dtype=jnp.float32)
    return {"x": x, "edge_index": edge_index, "batch": batch,
            "W0": W0, "b0": b0, "W1": W1, "b1": b1, "W2": W2, "b2": b2,
            "lin_W": lin_W, "lin_b": lin_b}


def _gcn_conv(x, edge_index, W, b):
    # PyG-style GCNConv: add self-loops, symmetric deg^{-1/2} normalization,
    # linear transform, scatter-add aggregation.
    N = x.shape[0]
    loop = jnp.arange(N, dtype=edge_index.dtype)
    src = jnp.concatenate([edge_index[0], loop])
    dst = jnp.concatenate([edge_index[1], loop])
    h = x @ W
    deg = jnp.zeros((N,), dtype=h.dtype).at[dst].add(1.0)
    deg_inv_sqrt = jnp.where(deg > 0, jax.lax.rsqrt(deg), 0.0)
    norm = deg_inv_sqrt[src] * deg_inv_sqrt[dst]
    msg = h[src] * norm[:, None]
    out = jnp.zeros((N, h.shape[1]), dtype=h.dtype).at[dst].add(msg)
    return out + b


def reference(x, edge_index, batch, W0, b0, W1, b1, W2, b2, lin_W, lin_b):
    h = jax.nn.relu(_gcn_conv(x, edge_index, W0, b0))
    h = jax.nn.relu(_gcn_conv(h, edge_index, W1, b1))
    h = jax.nn.relu(_gcn_conv(h, edge_index, W2, b2))
    # global_mean_pool over graph batch assignment
    sums = jax.ops.segment_sum(h, batch, num_segments=NUM_GRAPHS)
    counts = jax.ops.segment_sum(jnp.ones((h.shape[0],), dtype=h.dtype), batch, num_segments=NUM_GRAPHS)
    pooled = sums / jnp.maximum(counts, 1.0)[:, None]
    logits = jax.nn.relu(pooled @ lin_W + lin_b)
    return jax.nn.log_softmax(logits, axis=1)

if __name__ == "__main__":
    import jax
    _d = setup_inputs()
    print(jax.jit(kernel)(*tuple(_d.values())))

</pallas_src>

<mosaic_0001>
#map = affine_map<(d0, d1) -> (0, 0)>
#map1 = affine_map<(d0, d1) -> (0, 0, 0)>
module attributes {stable_mosaic.version = 14 : i64} {
  func.func @_agg_kernel(%arg0: i32, %arg1: i32, %arg2: memref<10000x32xf32, #tpu.memory_space<hbm>>, %arg3: memref<32x79x128xi32, #tpu.memory_space<hbm>>, %arg4: memref<32x79x128xi32, #tpu.memory_space<hbm>>, %arg5: memref<632x32xf32, #tpu.memory_space<hbm>>, %arg6: memref<2x10112x32xf32, #tpu.memory_space<hbm>>, %arg7: memref<79x128xi32, #tpu.memory_space<vmem>>, %arg8: memref<79x128xi32, #tpu.memory_space<vmem>>, %arg9: memref<4x128x32xf32, #tpu.memory_space<vmem>>, %arg10: memref<10112x32xf32, #tpu.memory_space<vmem_shared>>, %arg11: memref<4x!tpu.dma_semaphore, #tpu.memory_space<semaphore_mem>>, %arg12: memref<4x!tpu.dma_semaphore, #tpu.memory_space<semaphore_mem>>, %arg13: memref<3x!tpu.dma_semaphore, #tpu.memory_space<semaphore_mem>>) attributes {dimension_semantics = [#tpu.dimension_semantics<core_parallel>, #tpu.dimension_semantics<subcore_parallel>], iteration_bounds = array<i64: 2, 16>, scalar_prefetch = 0 : i64, scratch_operands = 7 : i64, tpu.core_type = #tpu.core_type<sc_vector_subcore>, window_params = [{transform_indices = #map}, {transform_indices = #map1}, {transform_indices = #map1}, {transform_indices = #map}, {transform_indices = #map1}]} {
    %mul3A = arith.constant 2 : i32
    %mul3A_0 = arith.muli %arg1, %mul3A : i32
    %add3A = arith.addi %mul3A_0, %arg0 : i32
    %dma_start3A = arith.constant 0 : i32
    %dma_start3A_1 = arith.constant 0 : i32
    %dma_start3A_2 = arith.constant 0 : i32
    %dma_start3A_3 = tpu.memref_slice %arg3[%add3A, %dma_start3A_1, %dma_start3A_2] : memref<32x79x128xi32, #tpu.memory_space<hbm>> -> memref<1x79x128xi32, #tpu.memory_space<hbm>>
    %dma_start3A_4 = tpu.memref_squeeze %dma_start3A_3 : memref<1x79x128xi32, #tpu.memory_space<hbm>> -> memref<79x128xi32, #tpu.memory_space<hbm>>
    %dma_start3A_5 = tpu.memref_slice %arg13[%dma_start3A] : memref<3x!tpu.dma_semaphore, #tpu.memory_space<semaphore_mem>> -> memref<1x!tpu.dma_semaphore, #tpu.memory_space<semaphore_mem>>
    %dma_start3A_6 = tpu.memref_squeeze %dma_start3A_5 : memref<1x!tpu.dma_semaphore, #tpu.memory_space<semaphore_mem>> -> memref<!tpu.dma_semaphore, #tpu.memory_space<semaphore_mem>>
    %dma_start3A_7 = arith.constant 0 : i32
    %dma_start3A_8 = arith.constant 0 : i32
    %dma_start3A_9 = tpu.memref_slice %arg3[%add3A, %dma_start3A_7, %dma_start3A_8] : memref<32x79x128xi32, #tpu.memory_space<hbm>> -> memref<1x79x128xi32, #tpu.memory_space<hbm>>
    %dma_start3A_10 = tpu.memref_squeeze %dma_start3A_9 : memref<1x79x128xi32, #tpu.memory_space<hbm>> -> memref<79x128xi32, #tpu.memory_space<hbm>>
    tpu.enqueue_dma source(%dma_start3A_10 : memref<79x128xi32, #tpu.memory_space<hbm>>) target(%arg7 : memref<79x128xi32, #tpu.memory_space<vmem>>) target_semaphore(%dma_start3A_6 : memref<!tpu.dma_semaphore, #tpu.memory_space<semaphore_mem>>)
    %dma_start3A_11 = arith.constant 1 : i32
    %dma_start3A_12 = arith.constant 0 : i32
    %dma_start3A_13 = arith.constant 0 : i32
    %dma_start3A_14 = tpu.memref_slice %arg4[%add3A, %dma_start3A_12, %dma_start3A_13] : memref<32x79x128xi32, #tpu.memory_space<hbm>> -> memref<1x79x128xi32, #tpu.memory_space<hbm>>
    %dma_start3A_15 = tpu.memref_squeeze %dma_start3A_14 : memref<1x79x128xi32, #tpu.memory_space<hbm>> -> memref<79x128xi32, #tpu.memory_space<hbm>>
    %dma_start3A_16 = tpu.memref_slice %arg13[%dma_start3A_11] : memref<3x!tpu.dma_semaphore, #tpu.memory_space<semaphore_mem>> -> memref<1x!tpu.dma_semaphore, #tpu.memory_space<semaphore_mem>>
    %dma_start3A_17 = tpu.memref_squeeze %dma_start3A_16 : memref<1x!tpu.dma_semaphore, #tpu.memory_space<semaphore_mem>> -> memref<!tpu.dma_semaphore, #tpu.memory_space<semaphore_mem>>
    %dma_start3A_18 = arith.constant 0 : i32
    %dma_start3A_19 = arith.constant 0 : i32
    %dma_start3A_20 = tpu.memref_slice %arg4[%add3A, %dma_start3A_18, %dma_start3A_19] : memref<32x79x128xi32, #tpu.memory_space<hbm>> -> memref<1x79x128xi32, #tpu.memory_space<hbm>>
    %dma_start3A_21 = tpu.memref_squeeze %dma_start3A_20 : memref<1x79x128xi32, #tpu.memory_space<hbm>> -> memref<79x128xi32, #tpu.memory_space<hbm>>
    tpu.enqueue_dma source(%dma_start3A_21 : memref<79x128xi32, #tpu.memory_space<hbm>>) target(%arg8 : memref<79x128xi32, #tpu.memory_space<vmem>>) target_semaphore(%dma_start3A_17 : memref<!tpu.dma_semaphore, #tpu.memory_space<semaphore_mem>>)
    %mul3A_22 = arith.constant 632 : i32
    %mul3A_23 = arith.muli %arg1, %mul3A_22 : i32
    %dma_start3A_24 = arith.constant 2 : i32
    %dma_start3A_25 = tpu.memref_slice %arg13[%dma_start3A_24] : memref<3x!tpu.dma_semaphore, #tpu.memory_space<semaphore_mem>> -> memref<1x!tpu.dma_semaphore, #tpu.memory_space<semaphore_mem>>
    %dma_start3A_26 = tpu.memref_squeeze %dma_start3A_25 : memref<1x!tpu.dma_semaphore, #tpu.memory_space<semaphore_mem>> -> memref<!tpu.dma_semaphore, #tpu.memory_space<semaphore_mem>>
    %dma_start3A_27 = arith.constant 0 : i32
    %dma_start3A_28 = tpu.memref_slice %arg10[%mul3A_23, %dma_start3A_27] : memref<10112x32xf32, #tpu.memory_space<vmem_shared>> -> memref<632x32xf32, #tpu.memory_space<vmem_shared>>
    tpu.enqueue_dma source(%arg5 : memref<632x32xf32, #tpu.memory_space<hbm>>) target(%dma_start3A_28 : memref<632x32xf32, #tpu.memory_space<vmem_shared>>) target_semaphore(%dma_start3A_26 : memref<!tpu.dma_semaphore, #tpu.memory_space<semaphore_mem>>)
    %dma_wait3A = arith.constant 0 : i32
    %dma_wait3A_29 = arith.constant 0 : i32
    %dma_wait3A_30 = arith.constant 0 : i32
    %dma_wait3A_31 = tpu.memref_slice %arg3[%add3A, %dma_wait3A_29, %dma_wait3A_30] : memref<32x79x128xi32, #tpu.memory_space<hbm>> -> memref<1x79x128xi32, #tpu.memory_space<hbm>>
    %dma_wait3A_32 = tpu.memref_squeeze %dma_wait3A_31 : memref<1x79x128xi32, #tpu.memory_space<hbm>> -> memref<79x128xi32, #tpu.memory_space<hbm>>
    %dma_wait3A_33 = tpu.memref_slice %arg13[%dma_wait3A] : memref<3x!tpu.dma_semaphore, #tpu.memory_space<semaphore_mem>> -> memref<1x!tpu.dma_semaphore, #tpu.memory_space<semaphore_mem>>
    %dma_wait3A_34 = tpu.memref_squeeze %dma_wait3A_33 : memref<1x!tpu.dma_semaphore, #tpu.memory_space<semaphore_mem>> -> memref<!tpu.dma_semaphore, #tpu.memory_space<semaphore_mem>>
    %dma_wait3A_35 = arith.constant 0 : i32
    %dma_wait3A_36 = arith.constant 0 : i32
    %dma_wait3A_37 = tpu.memref_slice %arg3[%add3A, %dma_wait3A_35, %dma_wait3A_36] : memref<32x79x128xi32, #tpu.memory_space<hbm>> -> memref<1x79x128xi32, #tpu.memory_space<hbm>>
    %dma_wait3A_38 = tpu.memref_squeeze %dma_wait3A_37 : memref<1x79x128xi32, #tpu.memory_space<hbm>> -> memref<79x128xi32, #tpu.memory_space<hbm>>
    tpu.wait_dma2 semaphore(%dma_wait3A_34 : memref<!tpu.dma_semaphore, #tpu.memory_space<semaphore_mem>>) src(%dma_wait3A_38 : memref<79x128xi32, #tpu.memory_space<hbm>>) dst(%arg7 : memref<79x128xi32, #tpu.memory_space<vmem>>)
    %dma_wait3A_39 = arith.constant 1 : i32
    %dma_wait3A_40 = arith.constant 0 : i32
    %dma_wait3A_41 = arith.constant 0 : i32
    %dma_wait3A_42 = tpu.memref_slice %arg4[%add3A, %dma_wait3A_40, %dma_wait3A_41] : memref<32x79x128xi32, #tpu.memory_space<hbm>> -> memref<1x79x128xi32, #tpu.memory_space<hbm>>
    %dma_wait3A_43 = tpu.memref_squeeze %dma_wait3A_42 : memref<1x79x128xi32, #tpu.memory_space<hbm>> -> memref<79x128xi32, #tpu.memory_space<hbm>>
    %dma_wait3A_44 = tpu.memref_slice %arg13[%dma_wait3A_39] : memref<3x!tpu.dma_semaphore, #tpu.memory_space<semaphore_mem>> -> memref<1x!tpu.dma_semaphore, #tpu.memory_space<semaphore_mem>>
    %dma_wait3A_45 = tpu.memref_squeeze %dma_wait3A_44 : memref<1x!tpu.dma_semaphore, #tpu.memory_space<semaphore_mem>> -> memref<!tpu.dma_semaphore, #tpu.memory_space<semaphore_mem>>
    %dma_wait3A_46 = arith.constant 0 : i32
    %dma_wait3A_47 = arith.constant 0 : i32
    %dma_wait3A_48 = tpu.memref_slice %arg4[%add3A, %dma_wait3A_46, %dma_wait3A_47] : memref<32x79x128xi32, #tpu.memory_space<hbm>> -> memref<1x79x128xi32, #tpu.memory_space<hbm>>
    %dma_wait3A_49 = tpu.memref_squeeze %dma_wait3A_48 : memref<1x79x128xi32, #tpu.memory_space<hbm>> -> memref<79x128xi32, #tpu.memory_space<hbm>>
    tpu.wait_dma2 semaphore(%dma_wait3A_45 : memref<!tpu.dma_semaphore, #tpu.memory_space<semaphore_mem>>) src(%dma_wait3A_49 : memref<79x128xi32, #tpu.memory_space<hbm>>) dst(%arg8 : memref<79x128xi32, #tpu.memory_space<vmem>>)
    %dma_start3A_50 = arith.constant 0 : i32
    %dma_start3A_51 = arith.constant 0 : i32
    %dma_start3A_52 = arith.constant 0 : i32
    %dma_start3A_53 = arith.constant 0 : i32
    %dma_start3A_54 = arith.constant 0 : i32
    %dma_start3A_55 = tpu.memref_slice %arg9[%dma_start3A_51, %dma_start3A_53, %dma_start3A_54] : memref<4x128x32xf32, #tpu.memory_space<vmem>> -> memref<1x128x32xf32, #tpu.memory_space<vmem>>
    %dma_start3A_56 = tpu.memref_squeeze %dma_start3A_55 : memref<1x128x32xf32, #tpu.memory_space<vmem>> -> memref<128x32xf32, #tpu.memory_space<vmem>>
    %dma_start3A_57 = arith.constant 0 : i32
    %dma_start3A_58 = tpu.memref_slice %arg7[%dma_start3A_50, %dma_start3A_57] : memref<79x128xi32, #tpu.memory_space<vmem>> -> memref<1x128xi32, #tpu.memory_space<vmem>>
    %dma_start3A_59 = tpu.memref_squeeze %dma_start3A_58 : memref<1x128xi32, #tpu.memory_space<vmem>> -> memref<128xi32, #tpu.memory_space<vmem>>
    %dma_start3A_60 = arith.constant 0 : i32
    %dma_start3A_61 = arith.constant 0 : i32
    %dma_start3A_62 = tpu.memref_slice %arg2[%dma_start3A_60, %dma_start3A_61] : memref<10000x32xf32, #tpu.memory_space<hbm>> -> memref<10000x32xf32, #tpu.memory_space<hbm>>
    %dma_start3A_63 = tpu.memref_slice %arg11[%dma_start3A_52] : memref<4x!tpu.dma_semaphore, #tpu.memory_space<semaphore_mem>> -> memref<1x!tpu.dma_semaphore, #tpu.memory_space<semaphore_mem>>
    %dma_start3A_64 = tpu.memref_squeeze %dma_start3A_63 : memref<1x!tpu.dma_semaphore, #tpu.memory_space<semaphore_mem>> -> memref<!tpu.dma_semaphore, #tpu.memory_space<semaphore_mem>>
    tpu.enqueue_indirect_dma source(%dma_start3A_62 : memref<10000x32xf32, #tpu.memory_space<hbm>>) target(%dma_start3A_56 : memref<128x32xf32, #tpu.memory_space<vmem>>) offsets(%dma_start3A_59 : memref<128xi32, #tpu.memory_space<vmem>>) semaphore(%dma_start3A_64 : memref<!tpu.dma_semaphore, #tpu.memory_space<semaphore_mem>>)
    %dma_start3A_65 = arith.constant 1 : i32
    %dma_start3A_66 = arith.constant 1 : i32
    %dma_start3A_67 = arith.constant 1 : i32
    %dma_start3A_68 = arith.constant 0 : i32
    %dma_start3A_69 = arith.constant 0 : i32
    %dma_start3A_70 = tpu.memref_slice %arg9[%dma_start3A_66, %dma_start3A_68, %dma_start3A_69] : memref<4x128x32xf32, #tpu.memory_space<vmem>> -> memref<1x128x32xf32, #tpu.memory_space<vmem>>
    %dma_start3A_71 = tpu.memref_squeeze %dma_start3A_70 : memref<1x128x32xf32, #tpu.memory_space<vmem>> -> memref<128x32xf32, #tpu.memory_space<vmem>>
    %dma_start3A_72 = arith.constant 0 : i32
    %dma_start3A_73 = tpu.memref_slice %arg7[%dma_start3A_65, %dma_start3A_72] : memref<79x128xi32, #tpu.memory_space<vmem>> -> memref<1x128xi32, #tpu.memory_space<vmem>>
    %dma_start3A_74 = tpu.memref_squeeze %dma_start3A_73 : memref<1x128xi32, #tpu.memory_space<vmem>> -> memref<128xi32, #tpu.memory_space<vmem>>
    %dma_start3A_75 = arith.constant 0 : i32
    %dma_start3A_76 = arith.constant 0 : i32
    %dma_start3A_77 = tpu.memref_slice %arg2[%dma_start3A_75, %dma_start3A_76] : memref<10000x32xf32, #tpu.memory_space<hbm>> -> memref<10000x32xf32, #tpu.memory_space<hbm>>
    %dma_start3A_78 = tpu.memref_slice %arg11[%dma_start3A_67] : memref<4x!tpu.dma_semaphore, #tpu.memory_space<semaphore_mem>> -> memref<1x!tpu.dma_semaphore, #tpu.memory_space<semaphore_mem>>
    %dma_start3A_79 = tpu.memref_squeeze %dma_start3A_78 : memref<1x!tpu.dma_semaphore, #tpu.memory_space<semaphore_mem>> -> memref<!tpu.dma_semaphore, #tpu.memory_space<semaphore_mem>>
    tpu.enqueue_indirect_dma source(%dma_start3A_77 : memref<10000x32xf32, #tpu.memory_space<hbm>>) target(%dma_start3A_71 : memref<128x32xf32, #tpu.memory_space<vmem>>) offsets(%dma_start3A_74 : memref<128xi32, #tpu.memory_space<vmem>>) semaphore(%dma_start3A_79 : memref<!tpu.dma_semaphore, #tpu.memory_space<semaphore_mem>>)
    %dma_start3A_80 = arith.constant 2 : i32
    %dma_start3A_81 = arith.constant 2 : i32
    %dma_start3A_82 = arith.constant 2 : i32
    %dma_start3A_83 = arith.constant 0 : i32
    %dma_start3A_84 = arith.constant 0 : i32
    %dma_start3A_85 = tpu.memref_slice %arg9[%dma_start3A_81, %dma_start3A_83, %dma_start3A_84] : memref<4x128x32xf32, #tpu.memory_space<vmem>> -> memref<1x128x32xf32, #tpu.memory_space<vmem>>
    %dma_start3A_86 = tpu.memref_squeeze %dma_start3A_85 : memref<1x128x32xf32, #tpu.memory_space<vmem>> -> memref<128x32xf32, #tpu.memory_space<vmem>>
    %dma_start3A_87 = arith.constant 0 : i32
    %dma_start3A_88 = tpu.memref_slice %arg7[%dma_start3A_80, %dma_start3A_87] : memref<79x128xi32, #tpu.memory_space<vmem>> -> memref<1x128xi32, #tpu.memory_space<vmem>>
    %dma_start3A_89 = tpu.memref_squeeze %dma_start3A_88 : memref<1x128xi32, #tpu.memory_space<vmem>> -> memref<128xi32, #tpu.memory_space<vmem>>
    %dma_start3A_90 = arith.constant 0 : i32
    %dma_start3A_91 = arith.constant 0 : i32
    %dma_start3A_92 = tpu.memref_slice %arg2[%dma_start3A_90, %dma_start3A_91] : memref<10000x32xf32, #tpu.memory_space<hbm>> -> memref<10000x32xf32, #tpu.memory_space<hbm>>
    %dma_start3A_93 = tpu.memref_slice %arg11[%dma_start3A_82] : memref<4x!tpu.dma_semaphore, #tpu.memory_space<semaphore_mem>> -> memref<1x!tpu.dma_semaphore, #tpu.memory_space<semaphore_mem>>
    %dma_start3A_94 = tpu.memref_squeeze %dma_start3A_93 : memref<1x!tpu.dma_semaphore, #tpu.memory_space<semaphore_mem>> -> memref<!tpu.dma_semaphore, #tpu.memory_space<semaphore_mem>>
    tpu.enqueue_indirect_dma source(%dma_start3A_92 : memref<10000x32xf32, #tpu.memory_space<hbm>>) target(%dma_start3A_86 : memref<128x32xf32, #tpu.memory_space<vmem>>) offsets(%dma_start3A_89 : memref<128xi32, #tpu.memory_space<vmem>>) semaphore(%dma_start3A_94 : memref<!tpu.dma_semaphore, #tpu.memory_space<semaphore_mem>>)
    %mul3A_95 = arith.constant 632 : i32
    %mul3A_96 = arith.muli %arg1, %mul3A_95 : i32
    %dma_wait3A_97 = arith.constant 2 : i32
    %dma_wait3A_98 = tpu.memref_slice %arg13[%dma_wait3A_97] : memref<3x!tpu.dma_semaphore, #tpu.memory_space<semaphore_mem>> -> memref<1x!tpu.dma_semaphore, #tpu.memory_space<semaphore_mem>>
    %dma_wait3A_99 = tpu.memref_squeeze %dma_wait3A_98 : memref<1x!tpu.dma_semaphore, #tpu.memory_space<semaphore_mem>> -> memref<!tpu.dma_semaphore, #tpu.memory_space<semaphore_mem>>
    %dma_wait3A_100 = arith.constant 0 : i32
    %dma_wait3A_101 = tpu.memref_slice %arg10[%mul3A_96, %dma_wait3A_100] : memref<10112x32xf32, #tpu.memory_space<vmem_shared>> -> memref<632x32xf32, #tpu.memory_space<vmem_shared>>
    tpu.wait_dma2 semaphore(%dma_wait3A_99 : memref<!tpu.dma_semaphore, #tpu.memory_space<semaphore_mem>>) src(%arg5 : memref<632x32xf32, #tpu.memory_space<hbm>>) dst(%dma_wait3A_101 : memref<632x32xf32, #tpu.memory_space<vmem_shared>>)
    %barrier3A = arith.constant 0 : index
    tpu.barrier barrier_id(%barrier3A)
    %scan3A = arith.constant 0 : i32
    %scan3A_102 = arith.constant 0 : i32
    %scan3A_103 = arith.constant 79 : i32
    %scan3A_104 = arith.addi %scan3A_102, %scan3A_103 : i32
    %scan3A_105 = arith.constant 1 : i32
    scf.for %scan3A_127 = %scan3A_102 to %scan3A_104 step %scan3A_105  : i32 {
      %rem3A = arith.constant 4 : i32
      %rem3A_128 = arith.remsi %scan3A_127, %rem3A : i32
      %dma_wait3A_129 = arith.constant 0 : i32
      %dma_wait3A_130 = arith.constant 0 : i32
      %dma_wait3A_131 = tpu.memref_slice %arg9[%rem3A_128, %dma_wait3A_129, %dma_wait3A_130] : memref<4x128x32xf32, #tpu.memory_space<vmem>> -> memref<1x128x32xf32, #tpu.memory_space<vmem>>
      %dma_wait3A_132 = tpu.memref_squeeze %dma_wait3A_131 : memref<1x128x32xf32, #tpu.memory_space<vmem>> -> memref<128x32xf32, #tpu.memory_space<vmem>>
      %dma_wait3A_133 = arith.constant 0 : i32
      %dma_wait3A_134 = tpu.memref_slice %arg7[%scan3A_127, %dma_wait3A_133] : memref<79x128xi32, #tpu.memory_space<vmem>> -> memref<1x128xi32, #tpu.memory_space<vmem>>
      %dma_wait3A_135 = tpu.memref_squeeze %dma_wait3A_134 : memref<1x128xi32, #tpu.memory_space<vmem>> -> memref<128xi32, #tpu.memory_space<vmem>>
      %dma_wait3A_136 = arith.constant 0 : i32
      %dma_wait3A_137 = arith.constant 0 : i32
      %dma_wait3A_138 = tpu.memref_slice %arg2[%dma_wait3A_136, %dma_wait3A_137] : memref<10000x32xf32, #tpu.memory_space<hbm>> -> memref<10000x32xf32, #tpu.memory_space<hbm>>
      %dma_wait3A_139 = tpu.memref_slice %arg11[%rem3A_128] : memref<4x!tpu.dma_semaphore, #tpu.memory_space<semaphore_mem>> -> memref<1x!tpu.dma_semaphore, #tpu.memory_space<semaphore_mem>>
      %dma_wait3A_140 = tpu.memref_squeeze %dma_wait3A_139 : memref<1x!tpu.dma_semaphore, #tpu.memory_space<semaphore_mem>> -> memref<!tpu.dma_semaphore, #tpu.memory_space<semaphore_mem>>
      tpu.wait_indirect_dma semaphore(%dma_wait3A_140 : memref<!tpu.dma_semaphore, #tpu.memory_space<semaphore_mem>>) src(%dma_wait3A_138 : memref<10000x32xf32, #tpu.memory_space<hbm>>) dst(%dma_wait3A_132 : memref<128x32xf32, #tpu.memory_space<vmem>>)
      %dma_start3A_141 = arith.constant 0 : i32
      %dma_start3A_142 = arith.constant 0 : i32
      %dma_start3A_143 = tpu.memref_slice %arg9[%rem3A_128, %dma_start3A_141, %dma_start3A_142] : memref<4x128x32xf32, #tpu.memory_space<vmem>> -> memref<1x128x32xf32, #tpu.memory_space<vmem>>
      %dma_start3A_144 = tpu.memref_squeeze %dma_start3A_143 : memref<1x128x32xf32, #tpu.memory_space<vmem>> -> memref<128x32xf32, #tpu.memory_space<vmem>>
      %dma_start3A_145 = arith.constant 0 : i32
      %dma_start3A_146 = tpu.memref_slice %arg8[%scan3A_127, %dma_start3A_145] : memref<79x128xi32, #tpu.memory_space<vmem>> -> memref<1x128xi32, #tpu.memory_space<vmem>>
      %dma_start3A_147 = tpu.memref_squeeze %dma_start3A_146 : memref<1x128xi32, #tpu.memory_space<vmem>> -> memref<128xi32, #tpu.memory_space<vmem>>
      %dma_start3A_148 = arith.constant 0 : i32
      %dma_start3A_149 = arith.constant 0 : i32
      %dma_start3A_150 = tpu.memref_slice %arg10[%dma_start3A_148, %dma_start3A_149] : memref<10112x32xf32, #tpu.memory_space<vmem_shared>> -> memref<10112x32xf32, #tpu.memory_space<vmem_shared>>
      %dma_start3A_151 = tpu.memref_slice %arg12[%rem3A_128] : memref<4x!tpu.dma_semaphore, #tpu.memory_space<semaphore_mem>> -> memref<1x!tpu.dma_semaphore, #tpu.memory_space<semaphore_mem>>
      %dma_start3A_152 = tpu.memref_squeeze %dma_start3A_151 : memref<1x!tpu.dma_semaphore, #tpu.memory_space<semaphore_mem>> -> memref<!tpu.dma_semaphore, #tpu.memory_space<semaphore_mem>>
      tpu.enqueue_indirect_dma source(%dma_start3A_144 : memref<128x32xf32, #tpu.memory_space<vmem>>) target(%dma_start3A_150 : memref<10112x32xf32, #tpu.memory_space<vmem_shared>>) offsets(%dma_start3A_147 : memref<128xi32, #tpu.memory_space<vmem>>) semaphore(%dma_start3A_152 : memref<!tpu.dma_semaphore, #tpu.memory_space<semaphore_mem>>) {add = true}
      %ge3A = arith.constant 1 : i32
      %ge3A_153 = arith.cmpi sge, %scan3A_127, %ge3A : i32
      %convert_element_type3A = arith.extui %ge3A_153 : i1 to i32
      %cond3A = arith.constant 0 : i32
      %cond3A_154 = arith.cmpi ne, %convert_element_type3A, %cond3A : i32
      scf.if %cond3A_154 {
        %sub3A = arith.constant 1 : i32
        %sub3A_161 = arith.subi %scan3A_127, %sub3A : i32
        %rem3A_162 = arith.constant 4 : i32
        %rem3A_163 = arith.remsi %sub3A_161, %rem3A_162 : i32
        %sub3A_164 = arith.constant 1 : i32
        %sub3A_165 = arith.subi %scan3A_127, %sub3A_164 : i32
        %dma_wait3A_166 = arith.constant 0 : i32
        %dma_wait3A_167 = arith.constant 0 : i32
        %dma_wait3A_168 = tpu.memref_slice %arg9[%rem3A_163, %dma_wait3A_166, %dma_wait3A_167] : memref<4x128x32xf32, #tpu.memory_space<vmem>> -> memref<1x128x32xf32, #tpu.memory_space<vmem>>
        %dma_wait3A_169 = tpu.memref_squeeze %dma_wait3A_168 : memref<1x128x32xf32, #tpu.memory_space<vmem>> -> memref<128x32xf32, #tpu.memory_space<vmem>>
        %dma_wait3A_170 = arith.constant 0 : i32
        %dma_wait3A_171 = tpu.memref_slice %arg8[%sub3A_165, %dma_wait3A_170] : memref<79x128xi32, #tpu.memory_space<vmem>> -> memref<1x128xi32, #tpu.memory_space<vmem>>
        %dma_wait3A_172 = tpu.memref_squeeze %dma_wait3A_171 : memref<1x128xi32, #tpu.memory_space<vmem>> -> memref<128xi32, #tpu.memory_space<vmem>>
        %dma_wait3A_173 = arith.constant 0 : i32
        %dma_wait3A_174 = arith.constant 0 : i32
        %dma_wait3A_175 = tpu.memref_slice %arg10[%dma_wait3A_173, %dma_wait3A_174] : memref<10112x32xf32, #tpu.memory_space<vmem_shared>> -> memref<10112x32xf32, #tpu.memory_space<vmem_shared>>
        %dma_wait3A_176 = tpu.memref_slice %arg12[%rem3A_163] : memref<4x!tpu.dma_semaphore, #tpu.memory_space<semaphore_mem>> -> memref<1x!tpu.dma_semaphore, #tpu.memory_space<semaphore_mem>>
        %dma_wait3A_177 = tpu.memref_squeeze %dma_wait3A_176 : memref<1x!tpu.dma_semaphore, #tpu.memory_space<semaphore_mem>> -> memref<!tpu.dma_semaphore, #tpu.memory_space<semaphore_mem>>
        tpu.wait_indirect_dma semaphore(%dma_wait3A_177 : memref<!tpu.dma_semaphore, #tpu.memory_space<semaphore_mem>>) src(%dma_wait3A_169 : memref<128x32xf32, #tpu.memory_space<vmem>>) dst(%dma_wait3A_175 : memref<10112x32xf32, #tpu.memory_space<vmem_shared>>)
      } else {
      }
      %add3A_155 = arith.constant 3 : i32
      %add3A_156 = arith.addi %scan3A_127, %add3A_155 : i32
      %lt3A = arith.constant 79 : i32
      %lt3A_157 = arith.cmpi slt, %add3A_156, %lt3A : i32
      %convert_element_type3A_158 = arith.extui %lt3A_157 : i1 to i32
      %cond3A_159 = arith.constant 0 : i32
      %cond3A_160 = arith.cmpi ne, %convert_element_type3A_158, %cond3A_159 : i32
      scf.if %cond3A_160 {
        %add3A_161 = arith.constant 3 : i32
        %add3A_162 = arith.addi %scan3A_127, %add3A_161 : i32
        %rem3A_163 = arith.constant 4 : i32
        %rem3A_164 = arith.remsi %add3A_162, %rem3A_163 : i32
        %add3A_165 = arith.constant 3 : i32
        %add3A_166 = arith.addi %scan3A_127, %add3A_165 : i32
        %dma_start3A_167 = arith.constant 0 : i32
        %dma_start3A_168 = arith.constant 0 : i32
        %dma_start3A_169 = tpu.memref_slice %arg9[%rem3A_164, %dma_start3A_167, %dma_start3A_168] : memref<4x128x32xf32, #tpu.memory_space<vmem>> -> memref<1x128x32xf32, #tpu.memory_space<vmem>>
        %dma_start3A_170 = tpu.memref_squeeze %dma_start3A_169 : memref<1x128x32xf32, #tpu.memory_space<vmem>> -> memref<128x32xf32, #tpu.memory_space<vmem>>
        %dma_start3A_171 = arith.constant 0 : i32
        %dma_start3A_172 = tpu.memref_slice %arg7[%add3A_166, %dma_start3A_171] : memref<79x128xi32, #tpu.memory_space<vmem>> -> memref<1x128xi32, #tpu.memory_space<vmem>>
        %dma_start3A_173 = tpu.memref_squeeze %dma_start3A_172 : memref<1x128xi32, #tpu.memory_space<vmem>> -> memref<128xi32, #tpu.memory_space<vmem>>
        %dma_start3A_174 = arith.constant 0 : i32
        %dma_start3A_175 = arith.constant 0 : i32
        %dma_start3A_176 = tpu.memref_slice %arg2[%dma_start3A_174, %dma_start3A_175] : memref<10000x32xf32, #tpu.memory_space<hbm>> -> memref<10000x32xf32, #tpu.memory_space<hbm>>
        %dma_start3A_177 = tpu.memref_slice %arg11[%rem3A_164] : memref<4x!tpu.dma_semaphore, #tpu.memory_space<semaphore_mem>> -> memref<1x!tpu.dma_semaphore, #tpu.memory_space<semaphore_mem>>
        %dma_start3A_178 = tpu.memref_squeeze %dma_start3A_177 : memref<1x!tpu.dma_semaphore, #tpu.memory_space<semaphore_mem>> -> memref<!tpu.dma_semaphore, #tpu.memory_space<semaphore_mem>>
        tpu.enqueue_indirect_dma source(%dma_start3A_176 : memref<10000x32xf32, #tpu.memory_space<hbm>>) target(%dma_start3A_170 : memref<128x32xf32, #tpu.memory_space<vmem>>) offsets(%dma_start3A_173 : memref<128xi32, #tpu.memory_space<vmem>>) semaphore(%dma_start3A_178 : memref<!tpu.dma_semaphore, #tpu.memory_space<semaphore_mem>>)
      } else {
      }
    }
    %scan3A_106 = arith.constant 79 : i32
    %dma_wait3A_107 = arith.constant 2 : i32
    %dma_wait3A_108 = arith.constant 78 : i32
    %dma_wait3A_109 = arith.constant 2 : i32
    %dma_wait3A_110 = arith.constant 0 : i32
    %dma_wait3A_111 = arith.constant 0 : i32
    %dma_wait3A_112 = tpu.memref_slice %arg9[%dma_wait3A_107, %dma_wait3A_110, %dma_wait3A_111] : memref<4x128x32xf32, #tpu.memory_space<vmem>> -> memref<1x128x32xf32, #tpu.memory_space<vmem>>
    %dma_wait3A_113 = tpu.memref_squeeze %dma_wait3A_112 : memref<1x128x32xf32, #tpu.memory_space<vmem>> -> memref<128x32xf32, #tpu.memory_space<vmem>>
    %dma_wait3A_114 = arith.constant 0 : i32
    %dma_wait3A_115 = tpu.memref_slice %arg8[%dma_wait3A_108, %dma_wait3A_114] : memref<79x128xi32, #tpu.memory_space<vmem>> -> memref<1x128xi32, #tpu.memory_space<vmem>>
    %dma_wait3A_116 = tpu.memref_squeeze %dma_wait3A_115 : memref<1x128xi32, #tpu.memory_space<vmem>> -> memref<128xi32, #tpu.memory_space<vmem>>
    %dma_wait3A_117 = arith.constant 0 : i32
    %dma_wait3A_118 = arith.constant 0 : i32
    %dma_wait3A_119 = tpu.memref_slice %arg10[%dma_wait3A_117, %dma_wait3A_118] : memref<10112x32xf32, #tpu.memory_space<vmem_shared>> -> memref<10112x32xf32, #tpu.memory_space<vmem_shared>>
    %dma_wait3A_120 = tpu.memref_slice %arg12[%dma_wait3A_109] : memref<4x!tpu.dma_semaphore, #tpu.memory_space<semaphore_mem>> -> memref<1x!tpu.dma_semaphore, #tpu.memory_space<semaphore_mem>>
    %dma_wait3A_121 = tpu.memref_squeeze %dma_wait3A_120 : memref<1x!tpu.dma_semaphore, #tpu.memory_space<semaphore_mem>> -> memref<!tpu.dma_semaphore, #tpu.memory_space<semaphore_mem>>
    tpu.wait_indirect_dma semaphore(%dma_wait3A_121 : memref<!tpu.dma_semaphore, #tpu.memory_space<semaphore_mem>>) src(%dma_wait3A_113 : memref<128x32xf32, #tpu.memory_space<vmem>>) dst(%dma_wait3A_119 : memref<10112x32xf32, #tpu.memory_space<vmem_shared>>)
    %barrier3A_122 = arith.constant 0 : index
    tpu.barrier barrier_id(%barrier3A_122)
    %mul3A_123 = arith.constant 632 : i32
    %mul3A_124 = arith.muli %arg1, %mul3A_123 : i32
    %mul3A_125 = arith.constant 632 : i32
    %mul3A_126 = arith.muli %arg1, %mul3A_125 : i32
    "tpu.region"() ({
      %run_scoped3A = tpu.sem_alloc : memref<!tpu.dma_semaphore, #tpu.memory_space<semaphore_mem>>
      %dma_start3A_127 = arith.constant 0 : i32
      %dma_start3A_128 = tpu.memref_slice %arg6[%arg0, %mul3A_126, %dma_start3A_127] : memref<2x10112x32xf32, #tpu.memory_space<hbm>> -> memref<1x632x32xf32, #tpu.memory_space<hbm>>
      %dma_start3A_129 = tpu.memref_squeeze %dma_start3A_128 : memref<1x632x32xf32, #tpu.memory_space<hbm>> -> memref<632x32xf32, #tpu.memory_space<hbm>>
      %dma_start3A_130 = arith.constant 0 : i32
      %dma_start3A_131 = tpu.memref_slice %arg10[%mul3A_124, %dma_start3A_130] : memref<10112x32xf32, #tpu.memory_space<vmem_shared>> -> memref<632x32xf32, #tpu.memory_space<vmem_shared>>
      tpu.enqueue_dma source(%dma_start3A_131 : memref<632x32xf32, #tpu.memory_space<vmem_shared>>) target(%dma_start3A_129 : memref<632x32xf32, #tpu.memory_space<hbm>>) target_semaphore(%run_scoped3A : memref<!tpu.dma_semaphore, #tpu.memory_space<semaphore_mem>>)
      %dma_wait3A_132 = arith.constant 0 : i32
      %dma_wait3A_133 = tpu.memref_slice %arg6[%arg0, %mul3A_126, %dma_wait3A_132] : memref<2x10112x32xf32, #tpu.memory_space<hbm>> -> memref<1x632x32xf32, #tpu.memory_space<hbm>>
      %dma_wait3A_134 = tpu.memref_squeeze %dma_wait3A_133 : memref<1x632x32xf32, #tpu.memory_space<hbm>> -> memref<632x32xf32, #tpu.memory_space<hbm>>
      %dma_wait3A_135 = arith.constant 0 : i32
      %dma_wait3A_136 = tpu.memref_slice %arg10[%mul3A_124, %dma_wait3A_135] : memref<10112x32xf32, #tpu.memory_space<vmem_shared>> -> memref<632x32xf32, #tpu.memory_space<vmem_shared>>
      tpu.wait_dma2 semaphore(%run_scoped3A : memref<!tpu.dma_semaphore, #tpu.memory_space<semaphore_mem>>) src(%dma_wait3A_136 : memref<632x32xf32, #tpu.memory_space<vmem_shared>>) dst(%dma_wait3A_134 : memref<632x32xf32, #tpu.memory_space<hbm>>)
      tpu.yield
    }) : () -> ()
    return
  }
}

#map = affine_map<(d0, d1) -> (0, 0, 0)>
#map1 = affine_map<(d0, d1) -> (0, 0)>
module attributes {stable_mosaic.version = 14 : i64} {
  func.func @_deg_kernel(%arg0: i32, %arg1: i32, %arg2: memref<32x79x128xi32, #tpu.memory_space<hbm>>, %arg3: memref<128x8xf32, #tpu.memory_space<hbm>>, %arg4: memref<632x8xf32, #tpu.memory_space<hbm>>, %arg5: memref<2x10112x8xf32, #tpu.memory_space<hbm>>, %arg6: memref<79x128xi32, #tpu.memory_space<vmem>>, %arg7: memref<128x8xf32, #tpu.memory_space<vmem>>, %arg8: memref<10112x8xf32, #tpu.memory_space<vmem_shared>>, %arg9: memref<4x!tpu.dma_semaphore, #tpu.memory_space<semaphore_mem>>, %arg10: memref<3x!tpu.dma_semaphore, #tpu.memory_space<semaphore_mem>>) attributes {dimension_semantics = [#tpu.dimension_semantics<core_parallel>, #tpu.dimension_semantics<subcore_parallel>], iteration_bounds = array<i64: 2, 16>, scalar_prefetch = 0 : i64, scratch_operands = 5 : i64, tpu.core_type = #tpu.core_type<sc_vector_subcore>, window_params = [{transform_indices = #map}, {transform_indices = #map1}, {transform_indices = #map1}, {transform_indices = #map}]} {
    %mul3A = arith.constant 2 : i32
    %mul3A_0 = arith.muli %arg1, %mul3A : i32
    %add3A = arith.addi %mul3A_0, %arg0 : i32
    %dma_start3A = arith.constant 0 : i32
    %dma_start3A_1 = arith.constant 0 : i32
    %dma_start3A_2 = arith.constant 0 : i32
    %dma_start3A_3 = tpu.memref_slice %arg2[%add3A, %dma_start3A_1, %dma_start3A_2] : memref<32x79x128xi32, #tpu.memory_space<hbm>> -> memref<1x79x128xi32, #tpu.memory_space<hbm>>
    %dma_start3A_4 = tpu.memref_squeeze %dma_start3A_3 : memref<1x79x128xi32, #tpu.memory_space<hbm>> -> memref<79x128xi32, #tpu.memory_space<hbm>>
    %dma_start3A_5 = tpu.memref_slice %arg10[%dma_start3A] : memref<3x!tpu.dma_semaphore, #tpu.memory_space<semaphore_mem>> -> memref<1x!tpu.dma_semaphore, #tpu.memory_space<semaphore_mem>>
    %dma_start3A_6 = tpu.memref_squeeze %dma_start3A_5 : memref<1x!tpu.dma_semaphore, #tpu.memory_space<semaphore_mem>> -> memref<!tpu.dma_semaphore, #tpu.memory_space<semaphore_mem>>
    %dma_start3A_7 = arith.constant 0 : i32
    %dma_start3A_8 = arith.constant 0 : i32
    %dma_start3A_9 = tpu.memref_slice %arg2[%add3A, %dma_start3A_7, %dma_start3A_8] : memref<32x79x128xi32, #tpu.memory_space<hbm>> -> memref<1x79x128xi32, #tpu.memory_space<hbm>>
    %dma_start3A_10 = tpu.memref_squeeze %dma_start3A_9 : memref<1x79x128xi32, #tpu.memory_space<hbm>> -> memref<79x128xi32, #tpu.memory_space<hbm>>
    tpu.enqueue_dma source(%dma_start3A_10 : memref<79x128xi32, #tpu.memory_space<hbm>>) target(%arg6 : memref<79x128xi32, #tpu.memory_space<vmem>>) target_semaphore(%dma_start3A_6 : memref<!tpu.dma_semaphore, #tpu.memory_space<semaphore_mem>>)
    %dma_start3A_11 = arith.constant 1 : i32
    %dma_start3A_12 = tpu.memref_slice %arg10[%dma_start3A_11] : memref<3x!tpu.dma_semaphore, #tpu.memory_space<semaphore_mem>> -> memref<1x!tpu.dma_semaphore, #tpu.memory_space<semaphore_mem>>
    %dma_start3A_13 = tpu.memref_squeeze %dma_start3A_12 : memref<1x!tpu.dma_semaphore, #tpu.memory_space<semaphore_mem>> -> memref<!tpu.dma_semaphore, #tpu.memory_space<semaphore_mem>>
    tpu.enqueue_dma source(%arg3 : memref<128x8xf32, #tpu.memory_space<hbm>>) target(%arg7 : memref<128x8xf32, #tpu.memory_space<vmem>>) target_semaphore(%dma_start3A_13 : memref<!tpu.dma_semaphore, #tpu.memory_space<semaphore_mem>>)
    %mul3A_14 = arith.constant 632 : i32
    %mul3A_15 = arith.muli %arg1, %mul3A_14 : i32
    %dma_start3A_16 = arith.constant 2 : i32
    %dma_start3A_17 = tpu.memref_slice %arg10[%dma_start3A_16] : memref<3x!tpu.dma_semaphore, #tpu.memory_space<semaphore_mem>> -> memref<1x!tpu.dma_semaphore, #tpu.memory_space<semaphore_mem>>
    %dma_start3A_18 = tpu.memref_squeeze %dma_start3A_17 : memref<1x!tpu.dma_semaphore, #tpu.memory_space<semaphore_mem>> -> memref<!tpu.dma_semaphore, #tpu.memory_space<semaphore_mem>>
    %dma_start3A_19 = arith.constant 0 : i32
    %dma_start3A_20 = tpu.memref_slice %arg8[%mul3A_15, %dma_start3A_19] : memref<10112x8xf32, #tpu.memory_space<vmem_shared>> -> memref<632x8xf32, #tpu.memory_space<vmem_shared>>
    tpu.enqueue_dma source(%arg4 : memref<632x8xf32, #tpu.memory_space<hbm>>) target(%dma_start3A_20 : memref<632x8xf32, #tpu.memory_space<vmem_shared>>) target_semaphore(%dma_start3A_18 : memref<!tpu.dma_semaphore, #tpu.memory_space<semaphore_mem>>)
    %dma_wait3A = arith.constant 0 : i32
    %dma_wait3A_21 = arith.constant 0 : i32
    %dma_wait3A_22 = arith.constant 0 : i32
    %dma_wait3A_23 = tpu.memref_slice %arg2[%add3A, %dma_wait3A_21, %dma_wait3A_22] : memref<32x79x128xi32, #tpu.memory_space<hbm>> -> memref<1x79x128xi32, #tpu.memory_space<hbm>>
    %dma_wait3A_24 = tpu.memref_squeeze %dma_wait3A_23 : memref<1x79x128xi32, #tpu.memory_space<hbm>> -> memref<79x128xi32, #tpu.memory_space<hbm>>
    %dma_wait3A_25 = tpu.memref_slice %arg10[%dma_wait3A] : memref<3x!tpu.dma_semaphore, #tpu.memory_space<semaphore_mem>> -> memref<1x!tpu.dma_semaphore, #tpu.memory_space<semaphore_mem>>
    %dma_wait3A_26 = tpu.memref_squeeze %dma_wait3A_25 : memref<1x!tpu.dma_semaphore, #tpu.memory_space<semaphore_mem>> -> memref<!tpu.dma_semaphore, #tpu.memory_space<semaphore_mem>>
    %dma_wait3A_27 = arith.constant 0 : i32
    %dma_wait3A_28 = arith.constant 0 : i32
    %dma_wait3A_29 = tpu.memref_slice %arg2[%add3A, %dma_wait3A_27, %dma_wait3A_28] : memref<32x79x128xi32, #tpu.memory_space<hbm>> -> memref<1x79x128xi32, #tpu.memory_space<hbm>>
    %dma_wait3A_30 = tpu.memref_squeeze %dma_wait3A_29 : memref<1x79x128xi32, #tpu.memory_space<hbm>> -> memref<79x128xi32, #tpu.memory_space<hbm>>
    tpu.wait_dma2 semaphore(%dma_wait3A_26 : memref<!tpu.dma_semaphore, #tpu.memory_space<semaphore_mem>>) src(%dma_wait3A_30 : memref<79x128xi32, #tpu.memory_space<hbm>>) dst(%arg6 : memref<79x128xi32, #tpu.memory_space<vmem>>)
    %dma_wait3A_31 = arith.constant 1 : i32
    %dma_wait3A_32 = tpu.memref_slice %arg10[%dma_wait3A_31] : memref<3x!tpu.dma_semaphore, #tpu.memory_space<semaphore_mem>> -> memref<1x!tpu.dma_semaphore, #tpu.memory_space<semaphore_mem>>
    %dma_wait3A_33 = tpu.memref_squeeze %dma_wait3A_32 : memref<1x!tpu.dma_semaphore, #tpu.memory_space<semaphore_mem>> -> memref<!tpu.dma_semaphore, #tpu.memory_space<semaphore_mem>>
    tpu.wait_dma2 semaphore(%dma_wait3A_33 : memref<!tpu.dma_semaphore, #tpu.memory_space<semaphore_mem>>) src(%arg3 : memref<128x8xf32, #tpu.memory_space<hbm>>) dst(%arg7 : memref<128x8xf32, #tpu.memory_space<vmem>>)
    %mul3A_34 = arith.constant 632 : i32
    %mul3A_35 = arith.muli %arg1, %mul3A_34 : i32
    %dma_wait3A_36 = arith.constant 2 : i32
    %dma_wait3A_37 = tpu.memref_slice %arg10[%dma_wait3A_36] : memref<3x!tpu.dma_semaphore, #tpu.memory_space<semaphore_mem>> -> memref<1x!tpu.dma_semaphore, #tpu.memory_space<semaphore_mem>>
    %dma_wait3A_38 = tpu.memref_squeeze %dma_wait3A_37 : memref<1x!tpu.dma_semaphore, #tpu.memory_space<semaphore_mem>> -> memref<!tpu.dma_semaphore, #tpu.memory_space<semaphore_mem>>
    %dma_wait3A_39 = arith.constant 0 : i32
    %dma_wait3A_40 = tpu.memref_slice %arg8[%mul3A_35, %dma_wait3A_39] : memref<10112x8xf32, #tpu.memory_space<vmem_shared>> -> memref<632x8xf32, #tpu.memory_space<vmem_shared>>
    tpu.wait_dma2 semaphore(%dma_wait3A_38 : memref<!tpu.dma_semaphore, #tpu.memory_space<semaphore_mem>>) src(%arg4 : memref<632x8xf32, #tpu.memory_space<hbm>>) dst(%dma_wait3A_40 : memref<632x8xf32, #tpu.memory_space<vmem_shared>>)
    %barrier3A = arith.constant 0 : index
    tpu.barrier barrier_id(%barrier3A)
    %scan3A = arith.constant 0 : i32
    %scan3A_41 = arith.constant 0 : i32
    %scan3A_42 = arith.constant 79 : i32
    %scan3A_43 = arith.addi %scan3A_41, %scan3A_42 : i32
    %scan3A_44 = arith.constant 1 : i32
    scf.for %scan3A_81 = %scan3A_41 to %scan3A_43 step %scan3A_44  : i32 {
      %rem3A = arith.constant 4 : i32
      %rem3A_82 = arith.remsi %scan3A_81, %rem3A : i32
      %dma_start3A_83 = arith.constant 0 : i32
      %dma_start3A_84 = tpu.memref_slice %arg6[%scan3A_81, %dma_start3A_83] : memref<79x128xi32, #tpu.memory_space<vmem>> -> memref<1x128xi32, #tpu.memory_space<vmem>>
      %dma_start3A_85 = tpu.memref_squeeze %dma_start3A_84 : memref<1x128xi32, #tpu.memory_space<vmem>> -> memref<128xi32, #tpu.memory_space<vmem>>
      %dma_start3A_86 = arith.constant 0 : i32
      %dma_start3A_87 = arith.constant 0 : i32
      %dma_start3A_88 = tpu.memref_slice %arg8[%dma_start3A_86, %dma_start3A_87] : memref<10112x8xf32, #tpu.memory_space<vmem_shared>> -> memref<10112x8xf32, #tpu.memory_space<vmem_shared>>
      %dma_start3A_89 = tpu.memref_slice %arg9[%rem3A_82] : memref<4x!tpu.dma_semaphore, #tpu.memory_space<semaphore_mem>> -> memref<1x!tpu.dma_semaphore, #tpu.memory_space<semaphore_mem>>
      %dma_start3A_90 = tpu.memref_squeeze %dma_start3A_89 : memref<1x!tpu.dma_semaphore, #tpu.memory_space<semaphore_mem>> -> memref<!tpu.dma_semaphore, #tpu.memory_space<semaphore_mem>>
      tpu.enqueue_indirect_dma source(%arg7 : memref<128x8xf32, #tpu.memory_space<vmem>>) target(%dma_start3A_88 : memref<10112x8xf32, #tpu.memory_space<vmem_shared>>) offsets(%dma_start3A_85 : memref<128xi32, #tpu.memory_space<vmem>>) semaphore(%dma_start3A_90 : memref<!tpu.dma_semaphore, #tpu.memory_space<semaphore_mem>>) {add = true}
      %ge3A = arith.constant 3 : i32
      %ge3A_91 = arith.cmpi sge, %scan3A_81, %ge3A : i32
      %convert_element_type3A = arith.extui %ge3A_91 : i1 to i32
      %cond3A = arith.constant 0 : i32
      %cond3A_92 = arith.cmpi ne, %convert_element_type3A, %cond3A : i32
      scf.if %cond3A_92 {
        %sub3A = arith.constant 3 : i32
        %sub3A_93 = arith.subi %scan3A_81, %sub3A : i32
        %sub3A_94 = arith.constant 3 : i32
        %sub3A_95 = arith.subi %scan3A_81, %sub3A_94 : i32
        %rem3A_96 = arith.constant 4 : i32
        %rem3A_97 = arith.remsi %sub3A_95, %rem3A_96 : i32
        %dma_wait3A_98 = arith.constant 0 : i32
        %dma_wait3A_99 = tpu.memref_slice %arg6[%sub3A_93, %dma_wait3A_98] : memref<79x128xi32, #tpu.memory_space<vmem>> -> memref<1x128xi32, #tpu.memory_space<vmem>>
        %dma_wait3A_100 = tpu.memref_squeeze %dma_wait3A_99 : memref<1x128xi32, #tpu.memory_space<vmem>> -> memref<128xi32, #tpu.memory_space<vmem>>
        %dma_wait3A_101 = arith.constant 0 : i32
        %dma_wait3A_102 = arith.constant 0 : i32
        %dma_wait3A_103 = tpu.memref_slice %arg8[%dma_wait3A_101, %dma_wait3A_102] : memref<10112x8xf32, #tpu.memory_space<vmem_shared>> -> memref<10112x8xf32, #tpu.memory_space<vmem_shared>>
        %dma_wait3A_104 = tpu.memref_slice %arg9[%rem3A_97] : memref<4x!tpu.dma_semaphore, #tpu.memory_space<semaphore_mem>> -> memref<1x!tpu.dma_semaphore, #tpu.memory_space<semaphore_mem>>
        %dma_wait3A_105 = tpu.memref_squeeze %dma_wait3A_104 : memref<1x!tpu.dma_semaphore, #tpu.memory_space<semaphore_mem>> -> memref<!tpu.dma_semaphore, #tpu.memory_space<semaphore_mem>>
        tpu.wait_indirect_dma semaphore(%dma_wait3A_105 : memref<!tpu.dma_semaphore, #tpu.memory_space<semaphore_mem>>) src(%arg7 : memref<128x8xf32, #tpu.memory_space<vmem>>) dst(%dma_wait3A_103 : memref<10112x8xf32, #tpu.memory_space<vmem_shared>>)
      } else {
      }
    }
    %scan3A_45 = arith.constant 79 : i32
    %dma_wait3A_46 = arith.constant 76 : i32
    %dma_wait3A_47 = arith.constant 0 : i32
    %dma_wait3A_48 = arith.constant 0 : i32
    %dma_wait3A_49 = tpu.memref_slice %arg6[%dma_wait3A_46, %dma_wait3A_48] : memref<79x128xi32, #tpu.memory_space<vmem>> -> memref<1x128xi32, #tpu.memory_space<vmem>>
    %dma_wait3A_50 = tpu.memref_squeeze %dma_wait3A_49 : memref<1x128xi32, #tpu.memory_space<vmem>> -> memref<128xi32, #tpu.memory_space<vmem>>
    %dma_wait3A_51 = arith.constant 0 : i32
    %dma_wait3A_52 = arith.constant 0 : i32
    %dma_wait3A_53 = tpu.memref_slice %arg8[%dma_wait3A_51, %dma_wait3A_52] : memref<10112x8xf32, #tpu.memory_space<vmem_shared>> -> memref<10112x8xf32, #tpu.memory_space<vmem_shared>>
    %dma_wait3A_54 = tpu.memref_slice %arg9[%dma_wait3A_47] : memref<4x!tpu.dma_semaphore, #tpu.memory_space<semaphore_mem>> -> memref<1x!tpu.dma_semaphore, #tpu.memory_space<semaphore_mem>>
    %dma_wait3A_55 = tpu.memref_squeeze %dma_wait3A_54 : memref<1x!tpu.dma_semaphore, #tpu.memory_space<semaphore_mem>> -> memref<!tpu.dma_semaphore, #tpu.memory_space<semaphore_mem>>
    tpu.wait_indirect_dma semaphore(%dma_wait3A_55 : memref<!tpu.dma_semaphore, #tpu.memory_space<semaphore_mem>>) src(%arg7 : memref<128x8xf32, #tpu.memory_space<vmem>>) dst(%dma_wait3A_53 : memref<10112x8xf32, #tpu.memory_space<vmem_shared>>)
    %dma_wait3A_56 = arith.constant 77 : i32
    %dma_wait3A_57 = arith.constant 1 : i32
    %dma_wait3A_58 = arith.constant 0 : i32
    %dma_wait3A_59 = tpu.memref_slice %arg6[%dma_wait3A_56, %dma_wait3A_58] : memref<79x128xi32, #tpu.memory_space<vmem>> -> memref<1x128xi32, #tpu.memory_space<vmem>>
    %dma_wait3A_60 = tpu.memref_squeeze %dma_wait3A_59 : memref<1x128xi32, #tpu.memory_space<vmem>> -> memref<128xi32, #tpu.memory_space<vmem>>
    %dma_wait3A_61 = arith.constant 0 : i32
    %dma_wait3A_62 = arith.constant 0 : i32
    %dma_wait3A_63 = tpu.memref_slice %arg8[%dma_wait3A_61, %dma_wait3A_62] : memref<10112x8xf32, #tpu.memory_space<vmem_shared>> -> memref<10112x8xf32, #tpu.memory_space<vmem_shared>>
    %dma_wait3A_64 = tpu.memref_slice %arg9[%dma_wait3A_57] : memref<4x!tpu.dma_semaphore, #tpu.memory_space<semaphore_mem>> -> memref<1x!tpu.dma_semaphore, #tpu.memory_space<semaphore_mem>>
    %dma_wait3A_65 = tpu.memref_squeeze %dma_wait3A_64 : memref<1x!tpu.dma_semaphore, #tpu.memory_space<semaphore_mem>> -> memref<!tpu.dma_semaphore, #tpu.memory_space<semaphore_mem>>
    tpu.wait_indirect_dma semaphore(%dma_wait3A_65 : memref<!tpu.dma_semaphore, #tpu.memory_space<semaphore_mem>>) src(%arg7 : memref<128x8xf32, #tpu.memory_space<vmem>>) dst(%dma_wait3A_63 : memref<10112x8xf32, #tpu.memory_space<vmem_shared>>)
    %dma_wait3A_66 = arith.constant 78 : i32
    %dma_wait3A_67 = arith.constant 2 : i32
    %dma_wait3A_68 = arith.constant 0 : i32
    %dma_wait3A_69 = tpu.memref_slice %arg6[%dma_wait3A_66, %dma_wait3A_68] : memref<79x128xi32, #tpu.memory_space<vmem>> -> memref<1x128xi32, #tpu.memory_space<vmem>>
    %dma_wait3A_70 = tpu.memref_squeeze %dma_wait3A_69 : memref<1x128xi32, #tpu.memory_space<vmem>> -> memref<128xi32, #tpu.memory_space<vmem>>
    %dma_wait3A_71 = arith.constant 0 : i32
    %dma_wait3A_72 = arith.constant 0 : i32
    %dma_wait3A_73 = tpu.memref_slice %arg8[%dma_wait3A_71, %dma_wait3A_72] : memref<10112x8xf32, #tpu.memory_space<vmem_shared>> -> memref<10112x8xf32, #tpu.memory_space<vmem_shared>>
    %dma_wait3A_74 = tpu.memref_slice %arg9[%dma_wait3A_67] : memref<4x!tpu.dma_semaphore, #tpu.memory_space<semaphore_mem>> -> memref<1x!tpu.dma_semaphore, #tpu.memory_space<semaphore_mem>>
    %dma_wait3A_75 = tpu.memref_squeeze %dma_wait3A_74 : memref<1x!tpu.dma_semaphore, #tpu.memory_space<semaphore_mem>> -> memref<!tpu.dma_semaphore, #tpu.memory_space<semaphore_mem>>
    tpu.wait_indirect_dma semaphore(%dma_wait3A_75 : memref<!tpu.dma_semaphore, #tpu.memory_space<semaphore_mem>>) src(%arg7 : memref<128x8xf32, #tpu.memory_space<vmem>>) dst(%dma_wait3A_73 : memref<10112x8xf32, #tpu.memory_space<vmem_shared>>)
    %barrier3A_76 = arith.constant 0 : index
    tpu.barrier barrier_id(%barrier3A_76)
    %mul3A_77 = arith.constant 632 : i32
    %mul3A_78 = arith.muli %arg1, %mul3A_77 : i32
    %mul3A_79 = arith.constant 632 : i32
    %mul3A_80 = arith.muli %arg1, %mul3A_79 : i32
    "tpu.region"() ({
      %run_scoped3A = tpu.sem_alloc : memref<!tpu.dma_semaphore, #tpu.memory_space<semaphore_mem>>
      %dma_start3A_81 = arith.constant 0 : i32
      %dma_start3A_82 = tpu.memref_slice %arg5[%arg0, %mul3A_80, %dma_start3A_81] : memref<2x10112x8xf32, #tpu.memory_space<hbm>> -> memref<1x632x8xf32, #tpu.memory_space<hbm>>
      %dma_start3A_83 = tpu.memref_squeeze %dma_start3A_82 : memref<1x632x8xf32, #tpu.memory_space<hbm>> -> memref<632x8xf32, #tpu.memory_space<hbm>>
      %dma_start3A_84 = arith.constant 0 : i32
      %dma_start3A_85 = tpu.memref_slice %arg8[%mul3A_78, %dma_start3A_84] : memref<10112x8xf32, #tpu.memory_space<vmem_shared>> -> memref<632x8xf32, #tpu.memory_space<vmem_shared>>
      tpu.enqueue_dma source(%dma_start3A_85 : memref<632x8xf32, #tpu.memory_space<vmem_shared>>) target(%dma_start3A_83 : memref<632x8xf32, #tpu.memory_space<hbm>>) target_semaphore(%run_scoped3A : memref<!tpu.dma_semaphore, #tpu.memory_space<semaphore_mem>>)
      %dma_wait3A_86 = arith.constant 0 : i32
      %dma_wait3A_87 = tpu.memref_slice %arg5[%arg0, %mul3A_80, %dma_wait3A_86] : memref<2x10112x8xf32, #tpu.memory_space<hbm>> -> memref<1x632x8xf32, #tpu.memory_space<hbm>>
      %dma_wait3A_88 = tpu.memref_squeeze %dma_wait3A_87 : memref<1x632x8xf32, #tpu.memory_space<hbm>> -> memref<632x8xf32, #tpu.memory_space<hbm>>
      %dma_wait3A_89 = arith.constant 0 : i32
      %dma_wait3A_90 = tpu.memref_slice %arg8[%mul3A_78, %dma_wait3A_89] : memref<10112x8xf32, #tpu.memory_space<vmem_shared>> -> memref<632x8xf32, #tpu.memory_space<vmem_shared>>
      tpu.wait_dma2 semaphore(%run_scoped3A : memref<!tpu.dma_semaphore, #tpu.memory_space<semaphore_mem>>) src(%dma_wait3A_90 : memref<632x8xf32, #tpu.memory_space<vmem_shared>>) dst(%dma_wait3A_88 : memref<632x8xf32, #tpu.memory_space<hbm>>)
      tpu.yield
    }) : () -> ()
    return
  }
}

#map = affine_map<(d0, d1) -> (0, 0)>
#map1 = affine_map<(d0, d1) -> (0, 0, 0)>
module attributes {stable_mosaic.version = 14 : i64} {
  func.func @_agg_kernel(%arg0: i32, %arg1: i32, %arg2: memref<10000x32xf32, #tpu.memory_space<hbm>>, %arg3: memref<32x79x128xi32, #tpu.memory_space<hbm>>, %arg4: memref<32x79x128xi32, #tpu.memory_space<hbm>>, %arg5: memref<632x32xf32, #tpu.memory_space<hbm>>, %arg6: memref<2x10112x32xf32, #tpu.memory_space<hbm>>, %arg7: memref<79x128xi32, #tpu.memory_space<vmem>>, %arg8: memref<79x128xi32, #tpu.memory_space<vmem>>, %arg9: memref<4x128x32xf32, #tpu.memory_space<vmem>>, %arg10: memref<10112x32xf32, #tpu.memory_space<vmem_shared>>, %arg11: memref<4x!tpu.dma_semaphore, #tpu.memory_space<semaphore_mem>>, %arg12: memref<4x!tpu.dma_semaphore, #tpu.memory_space<semaphore_mem>>, %arg13: memref<3x!tpu.dma_semaphore, #tpu.memory_space<semaphore_mem>>) attributes {dimension_semantics = [#tpu.dimension_semantics<core_parallel>, #tpu.dimension_semantics<subcore_parallel>], iteration_bounds = array<i64: 2, 16>, scalar_prefetch = 0 : i64, scratch_operands = 7 : i64, tpu.core_type = #tpu.core_type<sc_vector_subcore>, window_params = [{transform_indices = #map}, {transform_indices = #map1}, {transform_indices = #map1}, {transform_indices = #map}, {transform_indices = #map1}]} {
    %mul3A = arith.constant 2 : i32
    %mul3A_0 = arith.muli %arg1, %mul3A : i32
    %add3A = arith.addi %mul3A_0, %arg0 : i32
    %dma_start3A = arith.constant 0 : i32
    %dma_start3A_1 = arith.constant 0 : i32
    %dma_start3A_2 = arith.constant 0 : i32
    %dma_start3A_3 = tpu.memref_slice %arg3[%add3A, %dma_start3A_1, %dma_start3A_2] : memref<32x79x128xi32, #tpu.memory_space<hbm>> -> memref<1x79x128xi32, #tpu.memory_space<hbm>>
    %dma_start3A_4 = tpu.memref_squeeze %dma_start3A_3 : memref<1x79x128xi32, #tpu.memory_space<hbm>> -> memref<79x128xi32, #tpu.memory_space<hbm>>
    %dma_start3A_5 = tpu.memref_slice %arg13[%dma_start3A] : memref<3x!tpu.dma_semaphore, #tpu.memory_space<semaphore_mem>> -> memref<1x!tpu.dma_semaphore, #tpu.memory_space<semaphore_mem>>
    %dma_start3A_6 = tpu.memref_squeeze %dma_start3A_5 : memref<1x!tpu.dma_semaphore, #tpu.memory_space<semaphore_mem>> -> memref<!tpu.dma_semaphore, #tpu.memory_space<semaphore_mem>>
    %dma_start3A_7 = arith.constant 0 : i32
    %dma_start3A_8 = arith.constant 0 : i32
    %dma_start3A_9 = tpu.memref_slice %arg3[%add3A, %dma_start3A_7, %dma_start3A_8] : memref<32x79x128xi32, #tpu.memory_space<hbm>> -> memref<1x79x128xi32, #tpu.memory_space<hbm>>
    %dma_start3A_10 = tpu.memref_squeeze %dma_start3A_9 : memref<1x79x128xi32, #tpu.memory_space<hbm>> -> memref<79x128xi32, #tpu.memory_space<hbm>>
    tpu.enqueue_dma source(%dma_start3A_10 : memref<79x128xi32, #tpu.memory_space<hbm>>) target(%arg7 : memref<79x128xi32, #tpu.memory_space<vmem>>) target_semaphore(%dma_start3A_6 : memref<!tpu.dma_semaphore, #tpu.memory_space<semaphore_mem>>)
    %dma_start3A_11 = arith.constant 1 : i32
    %dma_start3A_12 = arith.constant 0 : i32
    %dma_start3A_13 = arith.constant 0 : i32
    %dma_start3A_14 = tpu.memref_slice %arg4[%add3A, %dma_start3A_12, %dma_start3A_13] : memref<32x79x128xi32, #tpu.memory_space<hbm>> -> memref<1x79x128xi32, #tpu.memory_space<hbm>>
    %dma_start3A_15 = tpu.memref_squeeze %dma_start3A_14 : memref<1x79x128xi32, #tpu.memory_space<hbm>> -> memref<79x128xi32, #tpu.memory_space<hbm>>
    %dma_start3A_16 = tpu.memref_slice %arg13[%dma_start3A_11] : memref<3x!tpu.dma_semaphore, #tpu.memory_space<semaphore_mem>> -> memref<1x!tpu.dma_semaphore, #tpu.memory_space<semaphore_mem>>
    %dma_start3A_17 = tpu.memref_squeeze %dma_start3A_16 : memref<1x!tpu.dma_semaphore, #tpu.memory_space<semaphore_mem>> -> memref<!tpu.dma_semaphore, #tpu.memory_space<semaphore_mem>>
    %dma_start3A_18 = arith.constant 0 : i32
    %dma_start3A_19 = arith.constant 0 : i32
    %dma_start3A_20 = tpu.memref_slice %arg4[%add3A, %dma_start3A_18, %dma_start3A_19] : memref<32x79x128xi32, #tpu.memory_space<hbm>> -> memref<1x79x128xi32, #tpu.memory_space<hbm>>
    %dma_start3A_21 = tpu.memref_squeeze %dma_start3A_20 : memref<1x79x128xi32, #tpu.memory_space<hbm>> -> memref<79x128xi32, #tpu.memory_space<hbm>>
    tpu.enqueue_dma source(%dma_start3A_21 : memref<79x128xi32, #tpu.memory_space<hbm>>) target(%arg8 : memref<79x128xi32, #tpu.memory_space<vmem>>) target_semaphore(%dma_start3A_17 : memref<!tpu.dma_semaphore, #tpu.memory_space<semaphore_mem>>)
    %mul3A_22 = arith.constant 632 : i32
    %mul3A_23 = arith.muli %arg1, %mul3A_22 : i32
    %dma_start3A_24 = arith.constant 2 : i32
    %dma_start3A_25 = tpu.memref_slice %arg13[%dma_start3A_24] : memref<3x!tpu.dma_semaphore, #tpu.memory_space<semaphore_mem>> -> memref<1x!tpu.dma_semaphore, #tpu.memory_space<semaphore_mem>>
    %dma_start3A_26 = tpu.memref_squeeze %dma_start3A_25 : memref<1x!tpu.dma_semaphore, #tpu.memory_space<semaphore_mem>> -> memref<!tpu.dma_semaphore, #tpu.memory_space<semaphore_mem>>
    %dma_start3A_27 = arith.constant 0 : i32
    %dma_start3A_28 = tpu.memref_slice %arg10[%mul3A_23, %dma_start3A_27] : memref<10112x32xf32, #tpu.memory_space<vmem_shared>> -> memref<632x32xf32, #tpu.memory_space<vmem_shared>>
    tpu.enqueue_dma source(%arg5 : memref<632x32xf32, #tpu.memory_space<hbm>>) target(%dma_start3A_28 : memref<632x32xf32, #tpu.memory_space<vmem_shared>>) target_semaphore(%dma_start3A_26 : memref<!tpu.dma_semaphore, #tpu.memory_space<semaphore_mem>>)
    %dma_wait3A = arith.constant 0 : i32
    %dma_wait3A_29 = arith.constant 0 : i32
    %dma_wait3A_30 = arith.constant 0 : i32
    %dma_wait3A_31 = tpu.memref_slice %arg3[%add3A, %dma_wait3A_29, %dma_wait3A_30] : memref<32x79x128xi32, #tpu.memory_space<hbm>> -> memref<1x79x128xi32, #tpu.memory_space<hbm>>
    %dma_wait3A_32 = tpu.memref_squeeze %dma_wait3A_31 : memref<1x79x128xi32, #tpu.memory_space<hbm>> -> memref<79x128xi32, #tpu.memory_space<hbm>>
    %dma_wait3A_33 = tpu.memref_slice %arg13[%dma_wait3A] : memref<3x!tpu.dma_semaphore, #tpu.memory_space<semaphore_mem>> -> memref<1x!tpu.dma_semaphore, #tpu.memory_space<semaphore_mem>>
    %dma_wait3A_34 = tpu.memref_squeeze %dma_wait3A_33 : memref<1x!tpu.dma_semaphore, #tpu.memory_space<semaphore_mem>> -> memref<!tpu.dma_semaphore, #tpu.memory_space<semaphore_mem>>
    %dma_wait3A_35 = arith.constant 0 : i32
    %dma_wait3A_36 = arith.constant 0 : i32
    %dma_wait3A_37 = tpu.memref_slice %arg3[%add3A, %dma_wait3A_35, %dma_wait3A_36] : memref<32x79x128xi32, #tpu.memory_space<hbm>> -> memref<1x79x128xi32, #tpu.memory_space<hbm>>
    %dma_wait3A_38 = tpu.memref_squeeze %dma_wait3A_37 : memref<1x79x128xi32, #tpu.memory_space<hbm>> -> memref<79x128xi32, #tpu.memory_space<hbm>>
    tpu.wait_dma2 semaphore(%dma_wait3A_34 : memref<!tpu.dma_semaphore, #tpu.memory_space<semaphore_mem>>) src(%dma_wait3A_38 : memref<79x128xi32, #tpu.memory_space<hbm>>) dst(%arg7 : memref<79x128xi32, #tpu.memory_space<vmem>>)
    %dma_wait3A_39 = arith.constant 1 : i32
    %dma_wait3A_40 = arith.constant 0 : i32
    %dma_wait3A_41 = arith.constant 0 : i32
    %dma_wait3A_42 = tpu.memref_slice %arg4[%add3A, %dma_wait3A_40, %dma_wait3A_41] : memref<32x79x128xi32, #tpu.memory_space<hbm>> -> memref<1x79x128xi32, #tpu.memory_space<hbm>>
    %dma_wait3A_43 = tpu.memref_squeeze %dma_wait3A_42 : memref<1x79x128xi32, #tpu.memory_space<hbm>> -> memref<79x128xi32, #tpu.memory_space<hbm>>
    %dma_wait3A_44 = tpu.memref_slice %arg13[%dma_wait3A_39] : memref<3x!tpu.dma_semaphore, #tpu.memory_space<semaphore_mem>> -> memref<1x!tpu.dma_semaphore, #tpu.memory_space<semaphore_mem>>
    %dma_wait3A_45 = tpu.memref_squeeze %dma_wait3A_44 : memref<1x!tpu.dma_semaphore, #tpu.memory_space<semaphore_mem>> -> memref<!tpu.dma_semaphore, #tpu.memory_space<semaphore_mem>>
    %dma_wait3A_46 = arith.constant 0 : i32
    %dma_wait3A_47 = arith.constant 0 : i32
    %dma_wait3A_48 = tpu.memref_slice %arg4[%add3A, %dma_wait3A_46, %dma_wait3A_47] : memref<32x79x128xi32, #tpu.memory_space<hbm>> -> memref<1x79x128xi32, #tpu.memory_space<hbm>>
    %dma_wait3A_49 = tpu.memref_squeeze %dma_wait3A_48 : memref<1x79x128xi32, #tpu.memory_space<hbm>> -> memref<79x128xi32, #tpu.memory_space<hbm>>
    tpu.wait_dma2 semaphore(%dma_wait3A_45 : memref<!tpu.dma_semaphore, #tpu.memory_space<semaphore_mem>>) src(%dma_wait3A_49 : memref<79x128xi32, #tpu.memory_space<hbm>>) dst(%arg8 : memref<79x128xi32, #tpu.memory_space<vmem>>)
    %dma_start3A_50 = arith.constant 0 : i32
    %dma_start3A_51 = arith.constant 0 : i32
    %dma_start3A_52 = arith.constant 0 : i32
    %dma_start3A_53 = arith.constant 0 : i32
    %dma_start3A_54 = arith.constant 0 : i32
    %dma_start3A_55 = tpu.memref_slice %arg9[%dma_start3A_51, %dma_start3A_53, %dma_start3A_54] : memref<4x128x32xf32, #tpu.memory_space<vmem>> -> memref<1x128x32xf32, #tpu.memory_space<vmem>>
    %dma_start3A_56 = tpu.memref_squeeze %dma_start3A_55 : memref<1x128x32xf32, #tpu.memory_space<vmem>> -> memref<128x32xf32, #tpu.memory_space<vmem>>
    %dma_start3A_57 = arith.constant 0 : i32
    %dma_start3A_58 = tpu.memref_slice %arg7[%dma_start3A_50, %dma_start3A_57] : memref<79x128xi32, #tpu.memory_space<vmem>> -> memref<1x128xi32, #tpu.memory_space<vmem>>
    %dma_start3A_59 = tpu.memref_squeeze %dma_start3A_58 : memref<1x128xi32, #tpu.memory_space<vmem>> -> memref<128xi32, #tpu.memory_space<vmem>>
    %dma_start3A_60 = arith.constant 0 : i32
    %dma_start3A_61 = arith.constant 0 : i32
    %dma_start3A_62 = tpu.memref_slice %arg2[%dma_start3A_60, %dma_start3A_61] : memref<10000x32xf32, #tpu.memory_space<hbm>> -> memref<10000x32xf32, #tpu.memory_space<hbm>>
    %dma_start3A_63 = tpu.memref_slice %arg11[%dma_start3A_52] : memref<4x!tpu.dma_semaphore, #tpu.memory_space<semaphore_mem>> -> memref<1x!tpu.dma_semaphore, #tpu.memory_space<semaphore_mem>>
    %dma_start3A_64 = tpu.memref_squeeze %dma_start3A_63 : memref<1x!tpu.dma_semaphore, #tpu.memory_space<semaphore_mem>> -> memref<!tpu.dma_semaphore, #tpu.memory_space<semaphore_mem>>
    tpu.enqueue_indirect_dma source(%dma_start3A_62 : memref<10000x32xf32, #tpu.memory_space<hbm>>) target(%dma_start3A_56 : memref<128x32xf32, #tpu.memory_space<vmem>>) offsets(%dma_start3A_59 : memref<128xi32, #tpu.memory_space<vmem>>) semaphore(%dma_start3A_64 : memref<!tpu.dma_semaphore, #tpu.memory_space<semaphore_mem>>)
    %dma_start3A_65 = arith.constant 1 : i32
    %dma_start3A_66 = arith.constant 1 : i32
    %dma_start3A_67 = arith.constant 1 : i32
    %dma_start3A_68 = arith.constant 0 : i32
    %dma_start3A_69 = arith.constant 0 : i32
    %dma_start3A_70 = tpu.memref_slice %arg9[%dma_start3A_66, %dma_start3A_68, %dma_start3A_69] : memref<4x128x32xf32, #tpu.memory_space<vmem>> -> memref<1x128x32xf32, #tpu.memory_space<vmem>>
    %dma_start3A_71 = tpu.memref_squeeze %dma_start3A_70 : memref<1x128x32xf32, #tpu.memory_space<vmem>> -> memref<128x32xf32, #tpu.memory_space<vmem>>
    %dma_start3A_72 = arith.constant 0 : i32
    %dma_start3A_73 = tpu.memref_slice %arg7[%dma_start3A_65, %dma_start3A_72] : memref<79x128xi32, #tpu.memory_space<vmem>> -> memref<1x128xi32, #tpu.memory_space<vmem>>
    %dma_start3A_74 = tpu.memref_squeeze %dma_start3A_73 : memref<1x128xi32, #tpu.memory_space<vmem>> -> memref<128xi32, #tpu.memory_space<vmem>>
    %dma_start3A_75 = arith.constant 0 : i32
    %dma_start3A_76 = arith.constant 0 : i32
    %dma_start3A_77 = tpu.memref_slice %arg2[%dma_start3A_75, %dma_start3A_76] : memref<10000x32xf32, #tpu.memory_space<hbm>> -> memref<10000x32xf32, #tpu.memory_space<hbm>>
    %dma_start3A_78 = tpu.memref_slice %arg11[%dma_start3A_67] : memref<4x!tpu.dma_semaphore, #tpu.memory_space<semaphore_mem>> -> memref<1x!tpu.dma_semaphore, #tpu.memory_space<semaphore_mem>>
    %dma_start3A_79 = tpu.memref_squeeze %dma_start3A_78 : memref<1x!tpu.dma_semaphore, #tpu.memory_space<semaphore_mem>> -> memref<!tpu.dma_semaphore, #tpu.memory_space<semaphore_mem>>
    tpu.enqueue_indirect_dma source(%dma_start3A_77 : memref<10000x32xf32, #tpu.memory_space<hbm>>) target(%dma_start3A_71 : memref<128x32xf32, #tpu.memory_space<vmem>>) offsets(%dma_start3A_74 : memref<128xi32, #tpu.memory_space<vmem>>) semaphore(%dma_start3A_79 : memref<!tpu.dma_semaphore, #tpu.memory_space<semaphore_mem>>)
    %dma_start3A_80 = arith.constant 2 : i32
    %dma_start3A_81 = arith.constant 2 : i32
    %dma_start3A_82 = arith.constant 2 : i32
    %dma_start3A_83 = arith.constant 0 : i32
    %dma_start3A_84 = arith.constant 0 : i32
    %dma_start3A_85 = tpu.memref_slice %arg9[%dma_start3A_81, %dma_start3A_83, %dma_start3A_84] : memref<4x128x32xf32, #tpu.memory_space<vmem>> -> memref<1x128x32xf32, #tpu.memory_space<vmem>>
    %dma_start3A_86 = tpu.memref_squeeze %dma_start3A_85 : memref<1x128x32xf32, #tpu.memory_space<vmem>> -> memref<128x32xf32, #tpu.memory_space<vmem>>
    %dma_start3A_87 = arith.constant 0 : i32
    %dma_start3A_88 = tpu.memref_slice %arg7[%dma_start3A_80, %dma_start3A_87] : memref<79x128xi32, #tpu.memory_space<vmem>> -> memref<1x128xi32, #tpu.memory_space<vmem>>
    %dma_start3A_89 = tpu.memref_squeeze %dma_start3A_88 : memref<1x128xi32, #tpu.memory_space<vmem>> -> memref<128xi32, #tpu.memory_space<vmem>>
    %dma_start3A_90 = arith.constant 0 : i32
    %dma_start3A_91 = arith.constant 0 : i32
    %dma_start3A_92 = tpu.memref_slice %arg2[%dma_start3A_90, %dma_start3A_91] : memref<10000x32xf32, #tpu.memory_space<hbm>> -> memref<10000x32xf32, #tpu.memory_space<hbm>>
    %dma_start3A_93 = tpu.memref_slice %arg11[%dma_start3A_82] : memref<4x!tpu.dma_semaphore, #tpu.memory_space<semaphore_mem>> -> memref<1x!tpu.dma_semaphore, #tpu.memory_space<semaphore_mem>>
    %dma_start3A_94 = tpu.memref_squeeze %dma_start3A_93 : memref<1x!tpu.dma_semaphore, #tpu.memory_space<semaphore_mem>> -> memref<!tpu.dma_semaphore, #tpu.memory_space<semaphore_mem>>
    tpu.enqueue_indirect_dma source(%dma_start3A_92 : memref<10000x32xf32, #tpu.memory_space<hbm>>) target(%dma_start3A_86 : memref<128x32xf32, #tpu.memory_space<vmem>>) offsets(%dma_start3A_89 : memref<128xi32, #tpu.memory_space<vmem>>) semaphore(%dma_start3A_94 : memref<!tpu.dma_semaphore, #tpu.memory_space<semaphore_mem>>)
    %mul3A_95 = arith.constant 632 : i32
    %mul3A_96 = arith.muli %arg1, %mul3A_95 : i32
    %dma_wait3A_97 = arith.constant 2 : i32
    %dma_wait3A_98 = tpu.memref_slice %arg13[%dma_wait3A_97] : memref<3x!tpu.dma_semaphore, #tpu.memory_space<semaphore_mem>> -> memref<1x!tpu.dma_semaphore, #tpu.memory_space<semaphore_mem>>
    %dma_wait3A_99 = tpu.memref_squeeze %dma_wait3A_98 : memref<1x!tpu.dma_semaphore, #tpu.memory_space<semaphore_mem>> -> memref<!tpu.dma_semaphore, #tpu.memory_space<semaphore_mem>>
    %dma_wait3A_100 = arith.constant 0 : i32
    %dma_wait3A_101 = tpu.memref_slice %arg10[%mul3A_96, %dma_wait3A_100] : memref<10112x32xf32, #tpu.memory_space<vmem_shared>> -> memref<632x32xf32, #tpu.memory_space<vmem_shared>>
    tpu.wait_dma2 semaphore(%dma_wait3A_99 : memref<!tpu.dma_semaphore, #tpu.memory_space<semaphore_mem>>) src(%arg5 : memref<632x32xf32, #tpu.memory_space<hbm>>) dst(%dma_wait3A_101 : memref<632x32xf32, #tpu.memory_space<vmem_shared>>)
    %barrier3A = arith.constant 0 : index
    tpu.barrier barrier_id(%barrier3A)
    %scan3A = arith.constant 0 : i32
    %scan3A_102 = arith.constant 0 : i32
    %scan3A_103 = arith.constant 79 : i32
    %scan3A_104 = arith.addi %scan3A_102, %scan3A_103 : i32
    %scan3A_105 = arith.constant 1 : i32
    scf.for %scan3A_127 = %scan3A_102 to %scan3A_104 step %scan3A_105  : i32 {
      %rem3A = arith.constant 4 : i32
      %rem3A_128 = arith.remsi %scan3A_127, %rem3A : i32
      %dma_wait3A_129 = arith.constant 0 : i32
      %dma_wait3A_130 = arith.constant 0 : i32
      %dma_wait3A_131 = tpu.memref_slice %arg9[%rem3A_128, %dma_wait3A_129, %dma_wait3A_130] : memref<4x128x32xf32, #tpu.memory_space<vmem>> -> memref<1x128x32xf32, #tpu.memory_space<vmem>>
      %dma_wait3A_132 = tpu.memref_squeeze %dma_wait3A_131 : memref<1x128x32xf32, #tpu.memory_space<vmem>> -> memref<128x32xf32, #tpu.memory_space<vmem>>
      %dma_wait3A_133 = arith.constant 0 : i32
      %dma_wait3A_134 = tpu.memref_slice %arg7[%scan3A_127, %dma_wait3A_133] : memref<79x128xi32, #tpu.memory_space<vmem>> -> memref<1x128xi32, #tpu.memory_space<vmem>>
      %dma_wait3A_135 = tpu.memref_squeeze %dma_wait3A_134 : memref<1x128xi32, #tpu.memory_space<vmem>> -> memref<128xi32, #tpu.memory_space<vmem>>
      %dma_wait3A_136 = arith.constant 0 : i32
      %dma_wait3A_137 = arith.constant 0 : i32
      %dma_wait3A_138 = tpu.memref_slice %arg2[%dma_wait3A_136, %dma_wait3A_137] : memref<10000x32xf32, #tpu.memory_space<hbm>> -> memref<10000x32xf32, #tpu.memory_space<hbm>>
      %dma_wait3A_139 = tpu.memref_slice %arg11[%rem3A_128] : memref<4x!tpu.dma_semaphore, #tpu.memory_space<semaphore_mem>> -> memref<1x!tpu.dma_semaphore, #tpu.memory_space<semaphore_mem>>
      %dma_wait3A_140 = tpu.memref_squeeze %dma_wait3A_139 : memref<1x!tpu.dma_semaphore, #tpu.memory_space<semaphore_mem>> -> memref<!tpu.dma_semaphore, #tpu.memory_space<semaphore_mem>>
      tpu.wait_indirect_dma semaphore(%dma_wait3A_140 : memref<!tpu.dma_semaphore, #tpu.memory_space<semaphore_mem>>) src(%dma_wait3A_138 : memref<10000x32xf32, #tpu.memory_space<hbm>>) dst(%dma_wait3A_132 : memref<128x32xf32, #tpu.memory_space<vmem>>)
      %dma_start3A_141 = arith.constant 0 : i32
      %dma_start3A_142 = arith.constant 0 : i32
      %dma_start3A_143 = tpu.memref_slice %arg9[%rem3A_128, %dma_start3A_141, %dma_start3A_142] : memref<4x128x32xf32, #tpu.memory_space<vmem>> -> memref<1x128x32xf32, #tpu.memory_space<vmem>>
      %dma_start3A_144 = tpu.memref_squeeze %dma_start3A_143 : memref<1x128x32xf32, #tpu.memory_space<vmem>> -> memref<128x32xf32, #tpu.memory_space<vmem>>
      %dma_start3A_145 = arith.constant 0 : i32
      %dma_start3A_146 = tpu.memref_slice %arg8[%scan3A_127, %dma_start3A_145] : memref<79x128xi32, #tpu.memory_space<vmem>> -> memref<1x128xi32, #tpu.memory_space<vmem>>
      %dma_start3A_147 = tpu.memref_squeeze %dma_start3A_146 : memref<1x128xi32, #tpu.memory_space<vmem>> -> memref<128xi32, #tpu.memory_space<vmem>>
      %dma_start3A_148 = arith.constant 0 : i32
      %dma_start3A_149 = arith.constant 0 : i32
      %dma_start3A_150 = tpu.memref_slice %arg10[%dma_start3A_148, %dma_start3A_149] : memref<10112x32xf32, #tpu.memory_space<vmem_shared>> -> memref<10112x32xf32, #tpu.memory_space<vmem_shared>>
      %dma_start3A_151 = tpu.memref_slice %arg12[%rem3A_128] : memref<4x!tpu.dma_semaphore, #tpu.memory_space<semaphore_mem>> -> memref<1x!tpu.dma_semaphore, #tpu.memory_space<semaphore_mem>>
      %dma_start3A_152 = tpu.memref_squeeze %dma_start3A_151 : memref<1x!tpu.dma_semaphore, #tpu.memory_space<semaphore_mem>> -> memref<!tpu.dma_semaphore, #tpu.memory_space<semaphore_mem>>
      tpu.enqueue_indirect_dma source(%dma_start3A_144 : memref<128x32xf32, #tpu.memory_space<vmem>>) target(%dma_start3A_150 : memref<10112x32xf32, #tpu.memory_space<vmem_shared>>) offsets(%dma_start3A_147 : memref<128xi32, #tpu.memory_space<vmem>>) semaphore(%dma_start3A_152 : memref<!tpu.dma_semaphore, #tpu.memory_space<semaphore_mem>>) {add = true}
      %ge3A = arith.constant 1 : i32
      %ge3A_153 = arith.cmpi sge, %scan3A_127, %ge3A : i32
      %convert_element_type3A = arith.extui %ge3A_153 : i1 to i32
      %cond3A = arith.constant 0 : i32
      %cond3A_154 = arith.cmpi ne, %convert_element_type3A, %cond3A : i32
      scf.if %cond3A_154 {
        %sub3A = arith.constant 1 : i32
        %sub3A_161 = arith.subi %scan3A_127, %sub3A : i32
        %rem3A_162 = arith.constant 4 : i32
        %rem3A_163 = arith.remsi %sub3A_161, %rem3A_162 : i32
        %sub3A_164 = arith.constant 1 : i32
        %sub3A_165 = arith.subi %scan3A_127, %sub3A_164 : i32
        %dma_wait3A_166 = arith.constant 0 : i32
        %dma_wait3A_167 = arith.constant 0 : i32
        %dma_wait3A_168 = tpu.memref_slice %arg9[%rem3A_163, %dma_wait3A_166, %dma_wait3A_167] : memref<4x128x32xf32, #tpu.memory_space<vmem>> -> memref<1x128x32xf32, #tpu.memory_space<vmem>>
        %dma_wait3A_169 = tpu.memref_squeeze %dma_wait3A_168 : memref<1x128x32xf32, #tpu.memory_space<vmem>> -> memref<128x32xf32, #tpu.memory_space<vmem>>
        %dma_wait3A_170 = arith.constant 0 : i32
        %dma_wait3A_171 = tpu.memref_slice %arg8[%sub3A_165, %dma_wait3A_170] : memref<79x128xi32, #tpu.memory_space<vmem>> -> memref<1x128xi32, #tpu.memory_space<vmem>>
        %dma_wait3A_172 = tpu.memref_squeeze %dma_wait3A_171 : memref<1x128xi32, #tpu.memory_space<vmem>> -> memref<128xi32, #tpu.memory_space<vmem>>
        %dma_wait3A_173 = arith.constant 0 : i32
        %dma_wait3A_174 = arith.constant 0 : i32
        %dma_wait3A_175 = tpu.memref_slice %arg10[%dma_wait3A_173, %dma_wait3A_174] : memref<10112x32xf32, #tpu.memory_space<vmem_shared>> -> memref<10112x32xf32, #tpu.memory_space<vmem_shared>>
        %dma_wait3A_176 = tpu.memref_slice %arg12[%rem3A_163] : memref<4x!tpu.dma_semaphore, #tpu.memory_space<semaphore_mem>> -> memref<1x!tpu.dma_semaphore, #tpu.memory_space<semaphore_mem>>
        %dma_wait3A_177 = tpu.memref_squeeze %dma_wait3A_176 : memref<1x!tpu.dma_semaphore, #tpu.memory_space<semaphore_mem>> -> memref<!tpu.dma_semaphore, #tpu.memory_space<semaphore_mem>>
        tpu.wait_indirect_dma semaphore(%dma_wait3A_177 : memref<!tpu.dma_semaphore, #tpu.memory_space<semaphore_mem>>) src(%dma_wait3A_169 : memref<128x32xf32, #tpu.memory_space<vmem>>) dst(%dma_wait3A_175 : memref<10112x32xf32, #tpu.memory_space<vmem_shared>>)
      } else {
      }
      %add3A_155 = arith.constant 3 : i32
      %add3A_156 = arith.addi %scan3A_127, %add3A_155 : i32
      %lt3A = arith.constant 79 : i32
      %lt3A_157 = arith.cmpi slt, %add3A_156, %lt3A : i32
      %convert_element_type3A_158 = arith.extui %lt3A_157 : i1 to i32
      %cond3A_159 = arith.constant 0 : i32
      %cond3A_160 = arith.cmpi ne, %convert_element_type3A_158, %cond3A_159 : i32
      scf.if %cond3A_160 {
        %add3A_161 = arith.constant 3 : i32
        %add3A_162 = arith.addi %scan3A_127, %add3A_161 : i32
        %rem3A_163 = arith.constant 4 : i32
        %rem3A_164 = arith.remsi %add3A_162, %rem3A_163 : i32
        %add3A_165 = arith.constant 3 : i32
        %add3A_166 = arith.addi %scan3A_127, %add3A_165 : i32
        %dma_start3A_167 = arith.constant 0 : i32
        %dma_start3A_168 = arith.constant 0 : i32
        %dma_start3A_169 = tpu.memref_slice %arg9[%rem3A_164, %dma_start3A_167, %dma_start3A_168] : memref<4x128x32xf32, #tpu.memory_space<vmem>> -> memref<1x128x32xf32, #tpu.memory_space<vmem>>
        %dma_start3A_170 = tpu.memref_squeeze %dma_start3A_169 : memref<1x128x32xf32, #tpu.memory_space<vmem>> -> memref<128x32xf32, #tpu.memory_space<vmem>>
        %dma_start3A_171 = arith.constant 0 : i32
        %dma_start3A_172 = tpu.memref_slice %arg7[%add3A_166, %dma_start3A_171] : memref<79x128xi32, #tpu.memory_space<vmem>> -> memref<1x128xi32, #tpu.memory_space<vmem>>
        %dma_start3A_173 = tpu.memref_squeeze %dma_start3A_172 : memref<1x128xi32, #tpu.memory_space<vmem>> -> memref<128xi32, #tpu.memory_space<vmem>>
        %dma_start3A_174 = arith.constant 0 : i32
        %dma_start3A_175 = arith.constant 0 : i32
        %dma_start3A_176 = tpu.memref_slice %arg2[%dma_start3A_174, %dma_start3A_175] : memref<10000x32xf32, #tpu.memory_space<hbm>> -> memref<10000x32xf32, #tpu.memory_space<hbm>>
        %dma_start3A_177 = tpu.memref_slice %arg11[%rem3A_164] : memref<4x!tpu.dma_semaphore, #tpu.memory_space<semaphore_mem>> -> memref<1x!tpu.dma_semaphore, #tpu.memory_space<semaphore_mem>>
        %dma_start3A_178 = tpu.memref_squeeze %dma_start3A_177 : memref<1x!tpu.dma_semaphore, #tpu.memory_space<semaphore_mem>> -> memref<!tpu.dma_semaphore, #tpu.memory_space<semaphore_mem>>
        tpu.enqueue_indirect_dma source(%dma_start3A_176 : memref<10000x32xf32, #tpu.memory_space<hbm>>) target(%dma_start3A_170 : memref<128x32xf32, #tpu.memory_space<vmem>>) offsets(%dma_start3A_173 : memref<128xi32, #tpu.memory_space<vmem>>) semaphore(%dma_start3A_178 : memref<!tpu.dma_semaphore, #tpu.memory_space<semaphore_mem>>)
      } else {
      }
    }
    %scan3A_106 = arith.constant 79 : i32
    %dma_wait3A_107 = arith.constant 2 : i32
    %dma_wait3A_108 = arith.constant 78 : i32
    %dma_wait3A_109 = arith.constant 2 : i32
    %dma_wait3A_110 = arith.constant 0 : i32
    %dma_wait3A_111 = arith.constant 0 : i32
    %dma_wait3A_112 = tpu.memref_slice %arg9[%dma_wait3A_107, %dma_wait3A_110, %dma_wait3A_111] : memref<4x128x32xf32, #tpu.memory_space<vmem>> -> memref<1x128x32xf32, #tpu.memory_space<vmem>>
    %dma_wait3A_113 = tpu.memref_squeeze %dma_wait3A_112 : memref<1x128x32xf32, #tpu.memory_space<vmem>> -> memref<128x32xf32, #tpu.memory_space<vmem>>
    %dma_wait3A_114 = arith.constant 0 : i32
    %dma_wait3A_115 = tpu.memref_slice %arg8[%dma_wait3A_108, %dma_wait3A_114] : memref<79x128xi32, #tpu.memory_space<vmem>> -> memref<1x128xi32, #tpu.memory_space<vmem>>
    %dma_wait3A_116 = tpu.memref_squeeze %dma_wait3A_115 : memref<1x128xi32, #tpu.memory_space<vmem>> -> memref<128xi32, #tpu.memory_space<vmem>>
    %dma_wait3A_117 = arith.constant 0 : i32
    %dma_wait3A_118 = arith.constant 0 : i32
    %dma_wait3A_119 = tpu.memref_slice %arg10[%dma_wait3A_117, %dma_wait3A_118] : memref<10112x32xf32, #tpu.memory_space<vmem_shared>> -> memref<10112x32xf32, #tpu.memory_space<vmem_shared>>
    %dma_wait3A_120 = tpu.memref_slice %arg12[%dma_wait3A_109] : memref<4x!tpu.dma_semaphore, #tpu.memory_space<semaphore_mem>> -> memref<1x!tpu.dma_semaphore, #tpu.memory_space<semaphore_mem>>
    %dma_wait3A_121 = tpu.memref_squeeze %dma_wait3A_120 : memref<1x!tpu.dma_semaphore, #tpu.memory_space<semaphore_mem>> -> memref<!tpu.dma_semaphore, #tpu.memory_space<semaphore_mem>>
    tpu.wait_indirect_dma semaphore(%dma_wait3A_121 : memref<!tpu.dma_semaphore, #tpu.memory_space<semaphore_mem>>) src(%dma_wait3A_113 : memref<128x32xf32, #tpu.memory_space<vmem>>) dst(%dma_wait3A_119 : memref<10112x32xf32, #tpu.memory_space<vmem_shared>>)
    %barrier3A_122 = arith.constant 0 : index
    tpu.barrier barrier_id(%barrier3A_122)
    %mul3A_123 = arith.constant 632 : i32
    %mul3A_124 = arith.muli %arg1, %mul3A_123 : i32
    %mul3A_125 = arith.constant 632 : i32
    %mul3A_126 = arith.muli %arg1, %mul3A_125 : i32
    "tpu.region"() ({
      %run_scoped3A = tpu.sem_alloc : memref<!tpu.dma_semaphore, #tpu.memory_space<semaphore_mem>>
      %dma_start3A_127 = arith.constant 0 : i32
      %dma_start3A_128 = tpu.memref_slice %arg6[%arg0, %mul3A_126, %dma_start3A_127] : memref<2x10112x32xf32, #tpu.memory_space<hbm>> -> memref<1x632x32xf32, #tpu.memory_space<hbm>>
      %dma_start3A_129 = tpu.memref_squeeze %dma_start3A_128 : memref<1x632x32xf32, #tpu.memory_space<hbm>> -> memref<632x32xf32, #tpu.memory_space<hbm>>
      %dma_start3A_130 = arith.constant 0 : i32
      %dma_start3A_131 = tpu.memref_slice %arg10[%mul3A_124, %dma_start3A_130] : memref<10112x32xf32, #tpu.memory_space<vmem_shared>> -> memref<632x32xf32, #tpu.memory_space<vmem_shared>>
      tpu.enqueue_dma source(%dma_start3A_131 : memref<632x32xf32, #tpu.memory_space<vmem_shared>>) target(%dma_start3A_129 : memref<632x32xf32, #tpu.memory_space<hbm>>) target_semaphore(%run_scoped3A : memref<!tpu.dma_semaphore, #tpu.memory_space<semaphore_mem>>)
      %dma_wait3A_132 = arith.constant 0 : i32
      %dma_wait3A_133 = tpu.memref_slice %arg6[%arg0, %mul3A_126, %dma_wait3A_132] : memref<2x10112x32xf32, #tpu.memory_space<hbm>> -> memref<1x632x32xf32, #tpu.memory_space<hbm>>
      %dma_wait3A_134 = tpu.memref_squeeze %dma_wait3A_133 : memref<1x632x32xf32, #tpu.memory_space<hbm>> -> memref<632x32xf32, #tpu.memory_space<hbm>>
      %dma_wait3A_135 = arith.constant 0 : i32
      %dma_wait3A_136 = tpu.memref_slice %arg10[%mul3A_124, %dma_wait3A_135] : memref<10112x32xf32, #tpu.memory_space<vmem_shared>> -> memref<632x32xf32, #tpu.memory_space<vmem_shared>>
      tpu.wait_dma2 semaphore(%run_scoped3A : memref<!tpu.dma_semaphore, #tpu.memory_space<semaphore_mem>>) src(%dma_wait3A_136 : memref<632x32xf32, #tpu.memory_space<vmem_shared>>) dst(%dma_wait3A_134 : memref<632x32xf32, #tpu.memory_space<hbm>>)
      tpu.yield
    }) : () -> ()
    return
  }
}

#map = affine_map<(d0, d1) -> (0, 0)>
#map1 = affine_map<(d0, d1) -> (0, 0, 0)>
module attributes {stable_mosaic.version = 14 : i64} {
  func.func @_agg_kernel(%arg0: i32, %arg1: i32, %arg2: memref<10000x32xf32, #tpu.memory_space<hbm>>, %arg3: memref<32x79x128xi32, #tpu.memory_space<hbm>>, %arg4: memref<32x79x128xi32, #tpu.memory_space<hbm>>, %arg5: memref<632x32xf32, #tpu.memory_space<hbm>>, %arg6: memref<2x10112x32xf32, #tpu.memory_space<hbm>>, %arg7: memref<79x128xi32, #tpu.memory_space<vmem>>, %arg8: memref<79x128xi32, #tpu.memory_space<vmem>>, %arg9: memref<4x128x32xf32, #tpu.memory_space<vmem>>, %arg10: memref<10112x32xf32, #tpu.memory_space<vmem_shared>>, %arg11: memref<4x!tpu.dma_semaphore, #tpu.memory_space<semaphore_mem>>, %arg12: memref<4x!tpu.dma_semaphore, #tpu.memory_space<semaphore_mem>>, %arg13: memref<3x!tpu.dma_semaphore, #tpu.memory_space<semaphore_mem>>) attributes {dimension_semantics = [#tpu.dimension_semantics<core_parallel>, #tpu.dimension_semantics<subcore_parallel>], iteration_bounds = array<i64: 2, 16>, scalar_prefetch = 0 : i64, scratch_operands = 7 : i64, tpu.core_type = #tpu.core_type<sc_vector_subcore>, window_params = [{transform_indices = #map}, {transform_indices = #map1}, {transform_indices = #map1}, {transform_indices = #map}, {transform_indices = #map1}]} {
    %mul3A = arith.constant 2 : i32
    %mul3A_0 = arith.muli %arg1, %mul3A : i32
    %add3A = arith.addi %mul3A_0, %arg0 : i32
    %dma_start3A = arith.constant 0 : i32
    %dma_start3A_1 = arith.constant 0 : i32
    %dma_start3A_2 = arith.constant 0 : i32
    %dma_start3A_3 = tpu.memref_slice %arg3[%add3A, %dma_start3A_1, %dma_start3A_2] : memref<32x79x128xi32, #tpu.memory_space<hbm>> -> memref<1x79x128xi32, #tpu.memory_space<hbm>>
    %dma_start3A_4 = tpu.memref_squeeze %dma_start3A_3 : memref<1x79x128xi32, #tpu.memory_space<hbm>> -> memref<79x128xi32, #tpu.memory_space<hbm>>
    %dma_start3A_5 = tpu.memref_slice %arg13[%dma_start3A] : memref<3x!tpu.dma_semaphore, #tpu.memory_space<semaphore_mem>> -> memref<1x!tpu.dma_semaphore, #tpu.memory_space<semaphore_mem>>
    %dma_start3A_6 = tpu.memref_squeeze %dma_start3A_5 : memref<1x!tpu.dma_semaphore, #tpu.memory_space<semaphore_mem>> -> memref<!tpu.dma_semaphore, #tpu.memory_space<semaphore_mem>>
    %dma_start3A_7 = arith.constant 0 : i32
    %dma_start3A_8 = arith.constant 0 : i32
    %dma_start3A_9 = tpu.memref_slice %arg3[%add3A, %dma_start3A_7, %dma_start3A_8] : memref<32x79x128xi32, #tpu.memory_space<hbm>> -> memref<1x79x128xi32, #tpu.memory_space<hbm>>
    %dma_start3A_10 = tpu.memref_squeeze %dma_start3A_9 : memref<1x79x128xi32, #tpu.memory_space<hbm>> -> memref<79x128xi32, #tpu.memory_space<hbm>>
    tpu.enqueue_dma source(%dma_start3A_10 : memref<79x128xi32, #tpu.memory_space<hbm>>) target(%arg7 : memref<79x128xi32, #tpu.memory_space<vmem>>) target_semaphore(%dma_start3A_6 : memref<!tpu.dma_semaphore, #tpu.memory_space<semaphore_mem>>)
    %dma_start3A_11 = arith.constant 1 : i32
    %dma_start3A_12 = arith.constant 0 : i32
    %dma_start3A_13 = arith.constant 0 : i32
    %dma_start3A_14 = tpu.memref_slice %arg4[%add3A, %dma_start3A_12, %dma_start3A_13] : memref<32x79x128xi32, #tpu.memory_space<hbm>> -> memref<1x79x128xi32, #tpu.memory_space<hbm>>
    %dma_start3A_15 = tpu.memref_squeeze %dma_start3A_14 : memref<1x79x128xi32, #tpu.memory_space<hbm>> -> memref<79x128xi32, #tpu.memory_space<hbm>>
    %dma_start3A_16 = tpu.memref_slice %arg13[%dma_start3A_11] : memref<3x!tpu.dma_semaphore, #tpu.memory_space<semaphore_mem>> -> memref<1x!tpu.dma_semaphore, #tpu.memory_space<semaphore_mem>>
    %dma_start3A_17 = tpu.memref_squeeze %dma_start3A_16 : memref<1x!tpu.dma_semaphore, #tpu.memory_space<semaphore_mem>> -> memref<!tpu.dma_semaphore, #tpu.memory_space<semaphore_mem>>
    %dma_start3A_18 = arith.constant 0 : i32
    %dma_start3A_19 = arith.constant 0 : i32
    %dma_start3A_20 = tpu.memref_slice %arg4[%add3A, %dma_start3A_18, %dma_start3A_19] : memref<32x79x128xi32, #tpu.memory_space<hbm>> -> memref<1x79x128xi32, #tpu.memory_space<hbm>>
    %dma_start3A_21 = tpu.memref_squeeze %dma_start3A_20 : memref<1x79x128xi32, #tpu.memory_space<hbm>> -> memref<79x128xi32, #tpu.memory_space<hbm>>
    tpu.enqueue_dma source(%dma_start3A_21 : memref<79x128xi32, #tpu.memory_space<hbm>>) target(%arg8 : memref<79x128xi32, #tpu.memory_space<vmem>>) target_semaphore(%dma_start3A_17 : memref<!tpu.dma_semaphore, #tpu.memory_space<semaphore_mem>>)
    %mul3A_22 = arith.constant 632 : i32
    %mul3A_23 = arith.muli %arg1, %mul3A_22 : i32
    %dma_start3A_24 = arith.constant 2 : i32
    %dma_start3A_25 = tpu.memref_slice %arg13[%dma_start3A_24] : memref<3x!tpu.dma_semaphore, #tpu.memory_space<semaphore_mem>> -> memref<1x!tpu.dma_semaphore, #tpu.memory_space<semaphore_mem>>
    %dma_start3A_26 = tpu.memref_squeeze %dma_start3A_25 : memref<1x!tpu.dma_semaphore, #tpu.memory_space<semaphore_mem>> -> memref<!tpu.dma_semaphore, #tpu.memory_space<semaphore_mem>>
    %dma_start3A_27 = arith.constant 0 : i32
    %dma_start3A_28 = tpu.memref_slice %arg10[%mul3A_23, %dma_start3A_27] : memref<10112x32xf32, #tpu.memory_space<vmem_shared>> -> memref<632x32xf32, #tpu.memory_space<vmem_shared>>
    tpu.enqueue_dma source(%arg5 : memref<632x32xf32, #tpu.memory_space<hbm>>) target(%dma_start3A_28 : memref<632x32xf32, #tpu.memory_space<vmem_shared>>) target_semaphore(%dma_start3A_26 : memref<!tpu.dma_semaphore, #tpu.memory_space<semaphore_mem>>)
    %dma_wait3A = arith.constant 0 : i32
    %dma_wait3A_29 = arith.constant 0 : i32
    %dma_wait3A_30 = arith.constant 0 : i32
    %dma_wait3A_31 = tpu.memref_slice %arg3[%add3A, %dma_wait3A_29, %dma_wait3A_30] : memref<32x79x128xi32, #tpu.memory_space<hbm>> -> memref<1x79x128xi32, #tpu.memory_space<hbm>>
    %dma_wait3A_32 = tpu.memref_squeeze %dma_wait3A_31 : memref<1x79x128xi32, #tpu.memory_space<hbm>> -> memref<79x128xi32, #tpu.memory_space<hbm>>
    %dma_wait3A_33 = tpu.memref_slice %arg13[%dma_wait3A] : memref<3x!tpu.dma_semaphore, #tpu.memory_space<semaphore_mem>> -> memref<1x!tpu.dma_semaphore, #tpu.memory_space<semaphore_mem>>
    %dma_wait3A_34 = tpu.memref_squeeze %dma_wait3A_33 : memref<1x!tpu.dma_semaphore, #tpu.memory_space<semaphore_mem>> -> memref<!tpu.dma_semaphore, #tpu.memory_space<semaphore_mem>>
    %dma_wait3A_35 = arith.constant 0 : i32
    %dma_wait3A_36 = arith.constant 0 : i32
    %dma_wait3A_37 = tpu.memref_slice %arg3[%add3A, %dma_wait3A_35, %dma_wait3A_36] : memref<32x79x128xi32, #tpu.memory_space<hbm>> -> memref<1x79x128xi32, #tpu.memory_space<hbm>>
    %dma_wait3A_38 = tpu.memref_squeeze %dma_wait3A_37 : memref<1x79x128xi32, #tpu.memory_space<hbm>> -> memref<79x128xi32, #tpu.memory_space<hbm>>
    tpu.wait_dma2 semaphore(%dma_wait3A_34 : memref<!tpu.dma_semaphore, #tpu.memory_space<semaphore_mem>>) src(%dma_wait3A_38 : memref<79x128xi32, #tpu.memory_space<hbm>>) dst(%arg7 : memref<79x128xi32, #tpu.memory_space<vmem>>)
    %dma_wait3A_39 = arith.constant 1 : i32
    %dma_wait3A_40 = arith.constant 0 : i32
    %dma_wait3A_41 = arith.constant 0 : i32
    %dma_wait3A_42 = tpu.memref_slice %arg4[%add3A, %dma_wait3A_40, %dma_wait3A_41] : memref<32x79x128xi32, #tpu.memory_space<hbm>> -> memref<1x79x128xi32, #tpu.memory_space<hbm>>
    %dma_wait3A_43 = tpu.memref_squeeze %dma_wait3A_42 : memref<1x79x128xi32, #tpu.memory_space<hbm>> -> memref<79x128xi32, #tpu.memory_space<hbm>>
    %dma_wait3A_44 = tpu.memref_slice %arg13[%dma_wait3A_39] : memref<3x!tpu.dma_semaphore, #tpu.memory_space<semaphore_mem>> -> memref<1x!tpu.dma_semaphore, #tpu.memory_space<semaphore_mem>>
    %dma_wait3A_45 = tpu.memref_squeeze %dma_wait3A_44 : memref<1x!tpu.dma_semaphore, #tpu.memory_space<semaphore_mem>> -> memref<!tpu.dma_semaphore, #tpu.memory_space<semaphore_mem>>
    %dma_wait3A_46 = arith.constant 0 : i32
    %dma_wait3A_47 = arith.constant 0 : i32
    %dma_wait3A_48 = tpu.memref_slice %arg4[%add3A, %dma_wait3A_46, %dma_wait3A_47] : memref<32x79x128xi32, #tpu.memory_space<hbm>> -> memref<1x79x128xi32, #tpu.memory_space<hbm>>
    %dma_wait3A_49 = tpu.memref_squeeze %dma_wait3A_48 : memref<1x79x128xi32, #tpu.memory_space<hbm>> -> memref<79x128xi32, #tpu.memory_space<hbm>>
    tpu.wait_dma2 semaphore(%dma_wait3A_45 : memref<!tpu.dma_semaphore, #tpu.memory_space<semaphore_mem>>) src(%dma_wait3A_49 : memref<79x128xi32, #tpu.memory_space<hbm>>) dst(%arg8 : memref<79x128xi32, #tpu.memory_space<vmem>>)
    %dma_start3A_50 = arith.constant 0 : i32
    %dma_start3A_51 = arith.constant 0 : i32
    %dma_start3A_52 = arith.constant 0 : i32
    %dma_start3A_53 = arith.constant 0 : i32
    %dma_start3A_54 = arith.constant 0 : i32
    %dma_start3A_55 = tpu.memref_slice %arg9[%dma_start3A_51, %dma_start3A_53, %dma_start3A_54] : memref<4x128x32xf32, #tpu.memory_space<vmem>> -> memref<1x128x32xf32, #tpu.memory_space<vmem>>
    %dma_start3A_56 = tpu.memref_squeeze %dma_start3A_55 : memref<1x128x32xf32, #tpu.memory_space<vmem>> -> memref<128x32xf32, #tpu.memory_space<vmem>>
    %dma_start3A_57 = arith.constant 0 : i32
    %dma_start3A_58 = tpu.memref_slice %arg7[%dma_start3A_50, %dma_start3A_57] : memref<79x128xi32, #tpu.memory_space<vmem>> -> memref<1x128xi32, #tpu.memory_space<vmem>>
    %dma_start3A_59 = tpu.memref_squeeze %dma_start3A_58 : memref<1x128xi32, #tpu.memory_space<vmem>> -> memref<128xi32, #tpu.memory_space<vmem>>
    %dma_start3A_60 = arith.constant 0 : i32
    %dma_start3A_61 = arith.constant 0 : i32
    %dma_start3A_62 = tpu.memref_slice %arg2[%dma_start3A_60, %dma_start3A_61] : memref<10000x32xf32, #tpu.memory_space<hbm>> -> memref<10000x32xf32, #tpu.memory_space<hbm>>
    %dma_start3A_63 = tpu.memref_slice %arg11[%dma_start3A_52] : memref<4x!tpu.dma_semaphore, #tpu.memory_space<semaphore_mem>> -> memref<1x!tpu.dma_semaphore, #tpu.memory_space<semaphore_mem>>
    %dma_start3A_64 = tpu.memref_squeeze %dma_start3A_63 : memref<1x!tpu.dma_semaphore, #tpu.memory_space<semaphore_mem>> -> memref<!tpu.dma_semaphore, #tpu.memory_space<semaphore_mem>>
    tpu.enqueue_indirect_dma source(%dma_start3A_62 : memref<10000x32xf32, #tpu.memory_space<hbm>>) target(%dma_start3A_56 : memref<128x32xf32, #tpu.memory_space<vmem>>) offsets(%dma_start3A_59 : memref<128xi32, #tpu.memory_space<vmem>>) semaphore(%dma_start3A_64 : memref<!tpu.dma_semaphore, #tpu.memory_space<semaphore_mem>>)
    %dma_start3A_65 = arith.constant 1 : i32
    %dma_start3A_66 = arith.constant 1 : i32
    %dma_start3A_67 = arith.constant 1 : i32
    %dma_start3A_68 = arith.constant 0 : i32
    %dma_start3A_69 = arith.constant 0 : i32
    %dma_start3A_70 = tpu.memref_slice %arg9[%dma_start3A_66, %dma_start3A_68, %dma_start3A_69] : memref<4x128x32xf32, #tpu.memory_space<vmem>> -> memref<1x128x32xf32, #tpu.memory_space<vmem>>
    %dma_start3A_71 = tpu.memref_squeeze %dma_start3A_70 : memref<1x128x32xf32, #tpu.memory_space<vmem>> -> memref<128x32xf32, #tpu.memory_space<vmem>>
    %dma_start3A_72 = arith.constant 0 : i32
    %dma_start3A_73 = tpu.memref_slice %arg7[%dma_start3A_65, %dma_start3A_72] : memref<79x128xi32, #tpu.memory_space<vmem>> -> memref<1x128xi32, #tpu.memory_space<vmem>>
    %dma_start3A_74 = tpu.memref_squeeze %dma_start3A_73 : memref<1x128xi32, #tpu.memory_space<vmem>> -> memref<128xi32, #tpu.memory_space<vmem>>
    %dma_start3A_75 = arith.constant 0 : i32
    %dma_start3A_76 = arith.constant 0 : i32
    %dma_start3A_77 = tpu.memref_slice %arg2[%dma_start3A_75, %dma_start3A_76] : memref<10000x32xf32, #tpu.memory_space<hbm>> -> memref<10000x32xf32, #tpu.memory_space<hbm>>
    %dma_start3A_78 = tpu.memref_slice %arg11[%dma_start3A_67] : memref<4x!tpu.dma_semaphore, #tpu.memory_space<semaphore_mem>> -> memref<1x!tpu.dma_semaphore, #tpu.memory_space<semaphore_mem>>
    %dma_start3A_79 = tpu.memref_squeeze %dma_start3A_78 : memref<1x!tpu.dma_semaphore, #tpu.memory_space<semaphore_mem>> -> memref<!tpu.dma_semaphore, #tpu.memory_space<semaphore_mem>>
    tpu.enqueue_indirect_dma source(%dma_start3A_77 : memref<10000x32xf32, #tpu.memory_space<hbm>>) target(%dma_start3A_71 : memref<128x32xf32, #tpu.memory_space<vmem>>) offsets(%dma_start3A_74 : memref<128xi32, #tpu.memory_space<vmem>>) semaphore(%dma_start3A_79 : memref<!tpu.dma_semaphore, #tpu.memory_space<semaphore_mem>>)
    %dma_start3A_80 = arith.constant 2 : i32
    %dma_start3A_81 = arith.constant 2 : i32
    %dma_start3A_82 = arith.constant 2 : i32
    %dma_start3A_83 = arith.constant 0 : i32
    %dma_start3A_84 = arith.constant 0 : i32
    %dma_start3A_85 = tpu.memref_slice %arg9[%dma_start3A_81, %dma_start3A_83, %dma_start3A_84] : memref<4x128x32xf32, #tpu.memory_space<vmem>> -> memref<1x128x32xf32, #tpu.memory_space<vmem>>
    %dma_start3A_86 = tpu.memref_squeeze %dma_start3A_85 : memref<1x128x32xf32, #tpu.memory_space<vmem>> -> memref<128x32xf32, #tpu.memory_space<vmem>>
    %dma_start3A_87 = arith.constant 0 : i32
    %dma_start3A_88 = tpu.memref_slice %arg7[%dma_start3A_80, %dma_start3A_87] : memref<79x128xi32, #tpu.memory_space<vmem>> -> memref<1x128xi32, #tpu.memory_space<vmem>>
    %dma_start3A_89 = tpu.memref_squeeze %dma_start3A_88 : memref<1x128xi32, #tpu.memory_space<vmem>> -> memref<128xi32, #tpu.memory_space<vmem>>
    %dma_start3A_90 = arith.constant 0 : i32
    %dma_start3A_91 = arith.constant 0 : i32
    %dma_start3A_92 = tpu.memref_slice %arg2[%dma_start3A_90, %dma_start3A_91] : memref<10000x32xf32, #tpu.memory_space<hbm>> -> memref<10000x32xf32, #tpu.memory_space<hbm>>
    %dma_start3A_93 = tpu.memref_slice %arg11[%dma_start3A_82] : memref<4x!tpu.dma_semaphore, #tpu.memory_space<semaphore_mem>> -> memref<1x!tpu.dma_semaphore, #tpu.memory_space<semaphore_mem>>
    %dma_start3A_94 = tpu.memref_squeeze %dma_start3A_93 : memref<1x!tpu.dma_semaphore, #tpu.memory_space<semaphore_mem>> -> memref<!tpu.dma_semaphore, #tpu.memory_space<semaphore_mem>>
    tpu.enqueue_indirect_dma source(%dma_start3A_92 : memref<10000x32xf32, #tpu.memory_space<hbm>>) target(%dma_start3A_86 : memref<128x32xf32, #tpu.memory_space<vmem>>) offsets(%dma_start3A_89 : memref<128xi32, #tpu.memory_space<vmem>>) semaphore(%dma_start3A_94 : memref<!tpu.dma_semaphore, #tpu.memory_space<semaphore_mem>>)
    %mul3A_95 = arith.constant 632 : i32
    %mul3A_96 = arith.muli %arg1, %mul3A_95 : i32
    %dma_wait3A_97 = arith.constant 2 : i32
    %dma_wait3A_98 = tpu.memref_slice %arg13[%dma_wait3A_97] : memref<3x!tpu.dma_semaphore, #tpu.memory_space<semaphore_mem>> -> memref<1x!tpu.dma_semaphore, #tpu.memory_space<semaphore_mem>>
    %dma_wait3A_99 = tpu.memref_squeeze %dma_wait3A_98 : memref<1x!tpu.dma_semaphore, #tpu.memory_space<semaphore_mem>> -> memref<!tpu.dma_semaphore, #tpu.memory_space<semaphore_mem>>
    %dma_wait3A_100 = arith.constant 0 : i32
    %dma_wait3A_101 = tpu.memref_slice %arg10[%mul3A_96, %dma_wait3A_100] : memref<10112x32xf32, #tpu.memory_space<vmem_shared>> -> memref<632x32xf32, #tpu.memory_space<vmem_shared>>
    tpu.wait_dma2 semaphore(%dma_wait3A_99 : memref<!tpu.dma_semaphore, #tpu.memory_space<semaphore_mem>>) src(%arg5 : memref<632x32xf32, #tpu.memory_space<hbm>>) dst(%dma_wait3A_101 : memref<632x32xf32, #tpu.memory_space<vmem_shared>>)
    %barrier3A = arith.constant 0 : index
    tpu.barrier barrier_id(%barrier3A)
    %scan3A = arith.constant 0 : i32
    %scan3A_102 = arith.constant 0 : i32
    %scan3A_103 = arith.constant 79 : i32
    %scan3A_104 = arith.addi %scan3A_102, %scan3A_103 : i32
    %scan3A_105 = arith.constant 1 : i32
    scf.for %scan3A_127 = %scan3A_102 to %scan3A_104 step %scan3A_105  : i32 {
      %rem3A = arith.constant 4 : i32
      %rem3A_128 = arith.remsi %scan3A_127, %rem3A : i32
      %dma_wait3A_129 = arith.constant 0 : i32
      %dma_wait3A_130 = arith.constant 0 : i32
      %dma_wait3A_131 = tpu.memref_slice %arg9[%rem3A_128, %dma_wait3A_129, %dma_wait3A_130] : memref<4x128x32xf32, #tpu.memory_space<vmem>> -> memref<1x128x32xf32, #tpu.memory_space<vmem>>
      %dma_wait3A_132 = tpu.memref_squeeze %dma_wait3A_131 : memref<1x128x32xf32, #tpu.memory_space<vmem>> -> memref<128x32xf32, #tpu.memory_space<vmem>>
      %dma_wait3A_133 = arith.constant 0 : i32
      %dma_wait3A_134 = tpu.memref_slice %arg7[%scan3A_127, %dma_wait3A_133] : memref<79x128xi32, #tpu.memory_space<vmem>> -> memref<1x128xi32, #tpu.memory_space<vmem>>
      %dma_wait3A_135 = tpu.memref_squeeze %dma_wait3A_134 : memref<1x128xi32, #tpu.memory_space<vmem>> -> memref<128xi32, #tpu.memory_space<vmem>>
      %dma_wait3A_136 = arith.constant 0 : i32
      %dma_wait3A_137 = arith.constant 0 : i32
      %dma_wait3A_138 = tpu.memref_slice %arg2[%dma_wait3A_136, %dma_wait3A_137] : memref<10000x32xf32, #tpu.memory_space<hbm>> -> memref<10000x32xf32, #tpu.memory_space<hbm>>
      %dma_wait3A_139 = tpu.memref_slice %arg11[%rem3A_128] : memref<4x!tpu.dma_semaphore, #tpu.memory_space<semaphore_mem>> -> memref<1x!tpu.dma_semaphore, #tpu.memory_space<semaphore_mem>>
      %dma_wait3A_140 = tpu.memref_squeeze %dma_wait3A_139 : memref<1x!tpu.dma_semaphore, #tpu.memory_space<semaphore_mem>> -> memref<!tpu.dma_semaphore, #tpu.memory_space<semaphore_mem>>
      tpu.wait_indirect_dma semaphore(%dma_wait3A_140 : memref<!tpu.dma_semaphore, #tpu.memory_space<semaphore_mem>>) src(%dma_wait3A_138 : memref<10000x32xf32, #tpu.memory_space<hbm>>) dst(%dma_wait3A_132 : memref<128x32xf32, #tpu.memory_space<vmem>>)
      %dma_start3A_141 = arith.constant 0 : i32
      %dma_start3A_142 = arith.constant 0 : i32
      %dma_start3A_143 = tpu.memref_slice %arg9[%rem3A_128, %dma_start3A_141, %dma_start3A_142] : memref<4x128x32xf32, #tpu.memory_space<vmem>> -> memref<1x128x32xf32, #tpu.memory_space<vmem>>
      %dma_start3A_144 = tpu.memref_squeeze %dma_start3A_143 : memref<1x128x32xf32, #tpu.memory_space<vmem>> -> memref<128x32xf32, #tpu.memory_space<vmem>>
      %dma_start3A_145 = arith.constant 0 : i32
      %dma_start3A_146 = tpu.memref_slice %arg8[%scan3A_127, %dma_start3A_145] : memref<79x128xi32, #tpu.memory_space<vmem>> -> memref<1x128xi32, #tpu.memory_space<vmem>>
      %dma_start3A_147 = tpu.memref_squeeze %dma_start3A_146 : memref<1x128xi32, #tpu.memory_space<vmem>> -> memref<128xi32, #tpu.memory_space<vmem>>
      %dma_start3A_148 = arith.constant 0 : i32
      %dma_start3A_149 = arith.constant 0 : i32
      %dma_start3A_150 = tpu.memref_slice %arg10[%dma_start3A_148, %dma_start3A_149] : memref<10112x32xf32, #tpu.memory_space<vmem_shared>> -> memref<10112x32xf32, #tpu.memory_space<vmem_shared>>
      %dma_start3A_151 = tpu.memref_slice %arg12[%rem3A_128] : memref<4x!tpu.dma_semaphore, #tpu.memory_space<semaphore_mem>> -> memref<1x!tpu.dma_semaphore, #tpu.memory_space<semaphore_mem>>
      %dma_start3A_152 = tpu.memref_squeeze %dma_start3A_151 : memref<1x!tpu.dma_semaphore, #tpu.memory_space<semaphore_mem>> -> memref<!tpu.dma_semaphore, #tpu.memory_space<semaphore_mem>>
      tpu.enqueue_indirect_dma source(%dma_start3A_144 : memref<128x32xf32, #tpu.memory_space<vmem>>) target(%dma_start3A_150 : memref<10112x32xf32, #tpu.memory_space<vmem_shared>>) offsets(%dma_start3A_147 : memref<128xi32, #tpu.memory_space<vmem>>) semaphore(%dma_start3A_152 : memref<!tpu.dma_semaphore, #tpu.memory_space<semaphore_mem>>) {add = true}
      %ge3A = arith.constant 1 : i32
      %ge3A_153 = arith.cmpi sge, %scan3A_127, %ge3A : i32
      %convert_element_type3A = arith.extui %ge3A_153 : i1 to i32
      %cond3A = arith.constant 0 : i32
      %cond3A_154 = arith.cmpi ne, %convert_element_type3A, %cond3A : i32
      scf.if %cond3A_154 {
        %sub3A = arith.constant 1 : i32
        %sub3A_161 = arith.subi %scan3A_127, %sub3A : i32
        %rem3A_162 = arith.constant 4 : i32
        %rem3A_163 = arith.remsi %sub3A_161, %rem3A_162 : i32
        %sub3A_164 = arith.constant 1 : i32
        %sub3A_165 = arith.subi %scan3A_127, %sub3A_164 : i32
        %dma_wait3A_166 = arith.constant 0 : i32
        %dma_wait3A_167 = arith.constant 0 : i32
        %dma_wait3A_168 = tpu.memref_slice %arg9[%rem3A_163, %dma_wait3A_166, %dma_wait3A_167] : memref<4x128x32xf32, #tpu.memory_space<vmem>> -> memref<1x128x32xf32, #tpu.memory_space<vmem>>
        %dma_wait3A_169 = tpu.memref_squeeze %dma_wait3A_168 : memref<1x128x32xf32, #tpu.memory_space<vmem>> -> memref<128x32xf32, #tpu.memory_space<vmem>>
        %dma_wait3A_170 = arith.constant 0 : i32
        %dma_wait3A_171 = tpu.memref_slice %arg8[%sub3A_165, %dma_wait3A_170] : memref<79x128xi32, #tpu.memory_space<vmem>> -> memref<1x128xi32, #tpu.memory_space<vmem>>
        %dma_wait3A_172 = tpu.memref_squeeze %dma_wait3A_171 : memref<1x128xi32, #tpu.memory_space<vmem>> -> memref<128xi32, #tpu.memory_space<vmem>>
        %dma_wait3A_173 = arith.constant 0 : i32
        %dma_wait3A_174 = arith.constant 0 : i32
        %dma_wait3A_175 = tpu.memref_slice %arg10[%dma_wait3A_173, %dma_wait3A_174] : memref<10112x32xf32, #tpu.memory_space<vmem_shared>> -> memref<10112x32xf32, #tpu.memory_space<vmem_shared>>
        %dma_wait3A_176 = tpu.memref_slice %arg12[%rem3A_163] : memref<4x!tpu.dma_semaphore, #tpu.memory_space<semaphore_mem>> -> memref<1x!tpu.dma_semaphore, #tpu.memory_space<semaphore_mem>>
        %dma_wait3A_177 = tpu.memref_squeeze %dma_wait3A_176 : memref<1x!tpu.dma_semaphore, #tpu.memory_space<semaphore_mem>> -> memref<!tpu.dma_semaphore, #tpu.memory_space<semaphore_mem>>
        tpu.wait_indirect_dma semaphore(%dma_wait3A_177 : memref<!tpu.dma_semaphore, #tpu.memory_space<semaphore_mem>>) src(%dma_wait3A_169 : memref<128x32xf32, #tpu.memory_space<vmem>>) dst(%dma_wait3A_175 : memref<10112x32xf32, #tpu.memory_space<vmem_shared>>)
      } else {
      }
      %add3A_155 = arith.constant 3 : i32
      %add3A_156 = arith.addi %scan3A_127, %add3A_155 : i32
      %lt3A = arith.constant 79 : i32
      %lt3A_157 = arith.cmpi slt, %add3A_156, %lt3A : i32
      %convert_element_type3A_158 = arith.extui %lt3A_157 : i1 to i32
      %cond3A_159 = arith.constant 0 : i32
      %cond3A_160 = arith.cmpi ne, %convert_element_type3A_158, %cond3A_159 : i32
      scf.if %cond3A_160 {
        %add3A_161 = arith.constant 3 : i32
        %add3A_162 = arith.addi %scan3A_127, %add3A_161 : i32
        %rem3A_163 = arith.constant 4 : i32
        %rem3A_164 = arith.remsi %add3A_162, %rem3A_163 : i32
        %add3A_165 = arith.constant 3 : i32
        %add3A_166 = arith.addi %scan3A_127, %add3A_165 : i32
        %dma_start3A_167 = arith.constant 0 : i32
        %dma_start3A_168 = arith.constant 0 : i32
        %dma_start3A_169 = tpu.memref_slice %arg9[%rem3A_164, %dma_start3A_167, %dma_start3A_168] : memref<4x128x32xf32, #tpu.memory_space<vmem>> -> memref<1x128x32xf32, #tpu.memory_space<vmem>>
        %dma_start3A_170 = tpu.memref_squeeze %dma_start3A_169 : memref<1x128x32xf32, #tpu.memory_space<vmem>> -> memref<128x32xf32, #tpu.memory_space<vmem>>
        %dma_start3A_171 = arith.constant 0 : i32
        %dma_start3A_172 = tpu.memref_slice %arg7[%add3A_166, %dma_start3A_171] : memref<79x128xi32, #tpu.memory_space<vmem>> -> memref<1x128xi32, #tpu.memory_space<vmem>>
        %dma_start3A_173 = tpu.memref_squeeze %dma_start3A_172 : memref<1x128xi32, #tpu.memory_space<vmem>> -> memref<128xi32, #tpu.memory_space<vmem>>
        %dma_start3A_174 = arith.constant 0 : i32
        %dma_start3A_175 = arith.constant 0 : i32
        %dma_start3A_176 = tpu.memref_slice %arg2[%dma_start3A_174, %dma_start3A_175] : memref<10000x32xf32, #tpu.memory_space<hbm>> -> memref<10000x32xf32, #tpu.memory_space<hbm>>
        %dma_start3A_177 = tpu.memref_slice %arg11[%rem3A_164] : memref<4x!tpu.dma_semaphore, #tpu.memory_space<semaphore_mem>> -> memref<1x!tpu.dma_semaphore, #tpu.memory_space<semaphore_mem>>
        %dma_start3A_178 = tpu.memref_squeeze %dma_start3A_177 : memref<1x!tpu.dma_semaphore, #tpu.memory_space<semaphore_mem>> -> memref<!tpu.dma_semaphore, #tpu.memory_space<semaphore_mem>>
        tpu.enqueue_indirect_dma source(%dma_start3A_176 : memref<10000x32xf32, #tpu.memory_space<hbm>>) target(%dma_start3A_170 : memref<128x32xf32, #tpu.memory_space<vmem>>) offsets(%dma_start3A_173 : memref<128xi32, #tpu.memory_space<vmem>>) semaphore(%dma_start3A_178 : memref<!tpu.dma_semaphore, #tpu.memory_space<semaphore_mem>>)
      } else {
      }
    }
    %scan3A_106 = arith.constant 79 : i32
    %dma_wait3A_107 = arith.constant 2 : i32
    %dma_wait3A_108 = arith.constant 78 : i32
    %dma_wait3A_109 = arith.constant 2 : i32
    %dma_wait3A_110 = arith.constant 0 : i32
    %dma_wait3A_111 = arith.constant 0 : i32
    %dma_wait3A_112 = tpu.memref_slice %arg9[%dma_wait3A_107, %dma_wait3A_110, %dma_wait3A_111] : memref<4x128x32xf32, #tpu.memory_space<vmem>> -> memref<1x128x32xf32, #tpu.memory_space<vmem>>
    %dma_wait3A_113 = tpu.memref_squeeze %dma_wait3A_112 : memref<1x128x32xf32, #tpu.memory_space<vmem>> -> memref<128x32xf32, #tpu.memory_space<vmem>>
    %dma_wait3A_114 = arith.constant 0 : i32
    %dma_wait3A_115 = tpu.memref_slice %arg8[%dma_wait3A_108, %dma_wait3A_114] : memref<79x128xi32, #tpu.memory_space<vmem>> -> memref<1x128xi32, #tpu.memory_space<vmem>>
    %dma_wait3A_116 = tpu.memref_squeeze %dma_wait3A_115 : memref<1x128xi32, #tpu.memory_space<vmem>> -> memref<128xi32, #tpu.memory_space<vmem>>
    %dma_wait3A_117 = arith.constant 0 : i32
    %dma_wait3A_118 = arith.constant 0 : i32
    %dma_wait3A_119 = tpu.memref_slice %arg10[%dma_wait3A_117, %dma_wait3A_118] : memref<10112x32xf32, #tpu.memory_space<vmem_shared>> -> memref<10112x32xf32, #tpu.memory_space<vmem_shared>>
    %dma_wait3A_120 = tpu.memref_slice %arg12[%dma_wait3A_109] : memref<4x!tpu.dma_semaphore, #tpu.memory_space<semaphore_mem>> -> memref<1x!tpu.dma_semaphore, #tpu.memory_space<semaphore_mem>>
    %dma_wait3A_121 = tpu.memref_squeeze %dma_wait3A_120 : memref<1x!tpu.dma_semaphore, #tpu.memory_space<semaphore_mem>> -> memref<!tpu.dma_semaphore, #tpu.memory_space<semaphore_mem>>
    tpu.wait_indirect_dma semaphore(%dma_wait3A_121 : memref<!tpu.dma_semaphore, #tpu.memory_space<semaphore_mem>>) src(%dma_wait3A_113 : memref<128x32xf32, #tpu.memory_space<vmem>>) dst(%dma_wait3A_119 : memref<10112x32xf32, #tpu.memory_space<vmem_shared>>)
    %barrier3A_122 = arith.constant 0 : index
    tpu.barrier barrier_id(%barrier3A_122)
    %mul3A_123 = arith.constant 632 : i32
    %mul3A_124 = arith.muli %arg1, %mul3A_123 : i32
    %mul3A_125 = arith.constant 632 : i32
    %mul3A_126 = arith.muli %arg1, %mul3A_125 : i32
    "tpu.region"() ({
      %run_scoped3A = tpu.sem_alloc : memref<!tpu.dma_semaphore, #tpu.memory_space<semaphore_mem>>
      %dma_start3A_127 = arith.constant 0 : i32
      %dma_start3A_128 = tpu.memref_slice %arg6[%arg0, %mul3A_126, %dma_start3A_127] : memref<2x10112x32xf32, #tpu.memory_space<hbm>> -> memref<1x632x32xf32, #tpu.memory_space<hbm>>
      %dma_start3A_129 = tpu.memref_squeeze %dma_start3A_128 : memref<1x632x32xf32, #tpu.memory_space<hbm>> -> memref<632x32xf32, #tpu.memory_space<hbm>>
      %dma_start3A_130 = arith.constant 0 : i32
      %dma_start3A_131 = tpu.memref_slice %arg10[%mul3A_124, %dma_start3A_130] : memref<10112x32xf32, #tpu.memory_space<vmem_shared>> -> memref<632x32xf32, #tpu.memory_space<vmem_shared>>
      tpu.enqueue_dma source(%dma_start3A_131 : memref<632x32xf32, #tpu.memory_space<vmem_shared>>) target(%dma_start3A_129 : memref<632x32xf32, #tpu.memory_space<hbm>>) target_semaphore(%run_scoped3A : memref<!tpu.dma_semaphore, #tpu.memory_space<semaphore_mem>>)
      %dma_wait3A_132 = arith.constant 0 : i32
      %dma_wait3A_133 = tpu.memref_slice %arg6[%arg0, %mul3A_126, %dma_wait3A_132] : memref<2x10112x32xf32, #tpu.memory_space<hbm>> -> memref<1x632x32xf32, #tpu.memory_space<hbm>>
      %dma_wait3A_134 = tpu.memref_squeeze %dma_wait3A_133 : memref<1x632x32xf32, #tpu.memory_space<hbm>> -> memref<632x32xf32, #tpu.memory_space<hbm>>
      %dma_wait3A_135 = arith.constant 0 : i32
      %dma_wait3A_136 = tpu.memref_slice %arg10[%mul3A_124, %dma_wait3A_135] : memref<10112x32xf32, #tpu.memory_space<vmem_shared>> -> memref<632x32xf32, #tpu.memory_space<vmem_shared>>
      tpu.wait_dma2 semaphore(%run_scoped3A : memref<!tpu.dma_semaphore, #tpu.memory_space<semaphore_mem>>) src(%dma_wait3A_136 : memref<632x32xf32, #tpu.memory_space<vmem_shared>>) dst(%dma_wait3A_134 : memref<632x32xf32, #tpu.memory_space<hbm>>)
      tpu.yield
    }) : () -> ()
    return
  }
}

module attributes {stable_mosaic.version = 14 : i64} {
  func.func @body(%arg0: memref<10000x128xf32, #tpu.memory_space<vmem>>, %arg1: memref<128x32xf32, #tpu.memory_space<vmem>>, %arg2: memref<2x10112x8xf32, #tpu.memory_space<vmem>>, %arg3: memref<10000x32xf32, #tpu.memory_space<vmem>>, %arg4: memref<10112x1xf32, #tpu.memory_space<vmem>>) attributes {dimension_semantics = [], scalar_prefetch = 0 : i64, scratch_operands = 0 : i64, tpu.core_type = #tpu.core_type<tc>} {
    %get3A = arith.constant 0 : index
    %get3A_0 = arith.constant 0 : index
    %get3A_1 = arith.constant 0 : index
    %get3A_2 = vector.load %arg2[%get3A, %get3A_0, %get3A_1] : memref<2x10112x8xf32, #tpu.memory_space<vmem>>, vector<1x10112x1xf32>
    %get3A_3 = vector.shape_cast %get3A_2 : vector<1x10112x1xf32> to vector<10112x1xf32>
    %get3A_4 = arith.constant 1 : index
    %get3A_5 = arith.constant 0 : index
    %get3A_6 = arith.constant 0 : index
    %get3A_7 = vector.load %arg2[%get3A_4, %get3A_5, %get3A_6] : memref<2x10112x8xf32, #tpu.memory_space<vmem>>, vector<1x10112x1xf32>
    %get3A_8 = vector.shape_cast %get3A_7 : vector<1x10112x1xf32> to vector<10112x1xf32>
    %add3A = arith.addf %get3A_3, %get3A_8 : vector<10112x1xf32>
    %add3A_9 = arith.constant 1.000000e+00 : f32
    %add3A_10 = vector.broadcast %add3A_9 : f32 to vector<10112x1xf32>
    %add3A_11 = arith.addf %add3A, %add3A_10 : vector<10112x1xf32>
    %rsqrt3A = math.rsqrt %add3A_11 : vector<10112x1xf32>
    %swap3A = arith.constant 0 : index
    %swap3A_12 = arith.constant 0 : index
    %swap3A_13 = vector.load %arg4[%swap3A, %swap3A_12] : memref<10112x1xf32, #tpu.memory_space<vmem>>, vector<10112x1xf32>
    tpu.vector_store %arg4[%swap3A, %swap3A_12], %rsqrt3A {strides = array<i32>} : memref<10112x1xf32, #tpu.memory_space<vmem>>, vector<10112x1xf32>,
    %get3A_14 = arith.constant 0 : index
    %get3A_15 = arith.constant 0 : index
    %get3A_16 = vector.load %arg0[%get3A_14, %get3A_15] : memref<10000x128xf32, #tpu.memory_space<vmem>>, vector<10000x128xf32>
    %get3A_17 = arith.constant 0 : index
    %get3A_18 = arith.constant 0 : index
    %get3A_19 = vector.load %arg1[%get3A_17, %get3A_18] : memref<128x32xf32, #tpu.memory_space<vmem>>, vector<128x32xf32>
    %dot_general3A = arith.constant dense<0.000000e+00> : vector<10000x32xf32>
    %dot_general3A_20 = tpu.matmul %get3A_16, %get3A_19, %dot_general3A {dimension_numbers = #tpu.dot_dimension_numbers<[1], [0], [0], [1], [0, 0, 1, 1], [], []>, transpose_lhs_hint = false} : vector<10000x128xf32>, vector<128x32xf32>, vector<10000x32xf32> -> vector<10000x32xf32>
    %slice3A = vector.extract_strided_slice %rsqrt3A {offsets = [0, 0], sizes = [10000, 1], strides = [1, 1]} : vector<10112x1xf32> to vector<10000x1xf32>
    %mul3A = vector.broadcast %slice3A : vector<10000x1xf32> to vector<10000x32xf32>
    %mul3A_21 = arith.mulf %mul3A, %dot_general3A_20 : vector<10000x32xf32>
    %swap3A_22 = arith.constant 0 : index
    %swap3A_23 = arith.constant 0 : index
    %swap3A_24 = vector.load %arg3[%swap3A_22, %swap3A_23] : memref<10000x32xf32, #tpu.memory_space<vmem>>, vector<10000x32xf32>
    tpu.vector_store %arg3[%swap3A_22, %swap3A_23], %mul3A_21 {strides = array<i32>} : memref<10000x32xf32, #tpu.memory_space<vmem>>, vector<10000x32xf32>,
    return
  }
}

module attributes {stable_mosaic.version = 14 : i64} {
  func.func @body(%arg0: memref<2x10112x32xf32, #tpu.memory_space<vmem>>, %arg1: memref<10000x32xf32, #tpu.memory_space<vmem>>, %arg2: memref<10112x1xf32, #tpu.memory_space<vmem>>, %arg3: memref<1x32xf32, #tpu.memory_space<vmem>>, %arg4: memref<32x32xf32, #tpu.memory_space<vmem>>, %arg5: memref<10000x32xf32, #tpu.memory_space<vmem>>) attributes {dimension_semantics = [], scalar_prefetch = 0 : i64, scratch_operands = 0 : i64, tpu.core_type = #tpu.core_type<tc>} {
    %get3A = arith.constant 0 : index
    %get3A_0 = arith.constant 0 : index
    %get3A_1 = vector.load %arg2[%get3A, %get3A_0] : memref<10112x1xf32, #tpu.memory_space<vmem>>, vector<10000x1xf32>
    %get3A_2 = arith.constant 0 : index
    %get3A_3 = arith.constant 0 : index
    %get3A_4 = arith.constant 0 : index
    %get3A_5 = vector.load %arg0[%get3A_2, %get3A_3, %get3A_4] : memref<2x10112x32xf32, #tpu.memory_space<vmem>>, vector<1x10000x32xf32>
    %get3A_6 = vector.shape_cast %get3A_5 : vector<1x10000x32xf32> to vector<10000x32xf32>
    %get3A_7 = arith.constant 1 : index
    %get3A_8 = arith.constant 0 : index
    %get3A_9 = arith.constant 0 : index
    %get3A_10 = vector.load %arg0[%get3A_7, %get3A_8, %get3A_9] : memref<2x10112x32xf32, #tpu.memory_space<vmem>>, vector<1x10000x32xf32>
    %get3A_11 = vector.shape_cast %get3A_10 : vector<1x10000x32xf32> to vector<10000x32xf32>
    %add3A = arith.addf %get3A_6, %get3A_11 : vector<10000x32xf32>
    %get3A_12 = arith.constant 0 : index
    %get3A_13 = arith.constant 0 : index
    %get3A_14 = vector.load %arg1[%get3A_12, %get3A_13] : memref<10000x32xf32, #tpu.memory_space<vmem>>, vector<10000x32xf32>
    %add3A_15 = arith.addf %add3A, %get3A_14 : vector<10000x32xf32>
    %mul3A = vector.broadcast %get3A_1 : vector<10000x1xf32> to vector<10000x32xf32>
    %mul3A_16 = arith.mulf %mul3A, %add3A_15 : vector<10000x32xf32>
    %get3A_17 = arith.constant 0 : index
    %get3A_18 = arith.constant 0 : index
    %get3A_19 = vector.load %arg3[%get3A_17, %get3A_18] : memref<1x32xf32, #tpu.memory_space<vmem>>, vector<1x32xf32>
    %add3A_20 = vector.broadcast %get3A_19 : vector<1x32xf32> to vector<10000x32xf32>
    %add3A_21 = arith.addf %mul3A_16, %add3A_20 : vector<10000x32xf32>
    %max3A = arith.constant 0.000000e+00 : f32
    %max3A_22 = vector.broadcast %max3A : f32 to vector<10000x32xf32>
    %max3A_23 = arith.maximumf %add3A_21, %max3A_22 : vector<10000x32xf32>
    %get3A_24 = arith.constant 0 : index
    %get3A_25 = arith.constant 0 : index
    %get3A_26 = vector.load %arg4[%get3A_24, %get3A_25] : memref<32x32xf32, #tpu.memory_space<vmem>>, vector<32x32xf32>
    %dot_general3A = arith.constant dense<0.000000e+00> : vector<10000x32xf32>
    %dot_general3A_27 = tpu.matmul %max3A_23, %get3A_26, %dot_general3A {dimension_numbers = #tpu.dot_dimension_numbers<[1], [0], [0], [1], [0, 0, 1, 1], [], []>, transpose_lhs_hint = false} : vector<10000x32xf32>, vector<32x32xf32>, vector<10000x32xf32> -> vector<10000x32xf32>
    %mul3A_28 = vector.broadcast %get3A_1 : vector<10000x1xf32> to vector<10000x32xf32>
    %mul3A_29 = arith.mulf %mul3A_28, %dot_general3A_27 : vector<10000x32xf32>
    %swap3A = arith.constant 0 : index
    %swap3A_30 = arith.constant 0 : index
    %swap3A_31 = vector.load %arg5[%swap3A, %swap3A_30] : memref<10000x32xf32, #tpu.memory_space<vmem>>, vector<10000x32xf32>
    tpu.vector_store %arg5[%swap3A, %swap3A_30], %mul3A_29 {strides = array<i32>} : memref<10000x32xf32, #tpu.memory_space<vmem>>, vector<10000x32xf32>,
    return
  }
}

module attributes {stable_mosaic.version = 14 : i64} {
  func.func @body(%arg0: memref<2x10112x32xf32, #tpu.memory_space<vmem>>, %arg1: memref<10000x32xf32, #tpu.memory_space<vmem>>, %arg2: memref<10112x1xf32, #tpu.memory_space<vmem>>, %arg3: memref<1x32xf32, #tpu.memory_space<vmem>>, %arg4: memref<10000x1xi32, #tpu.memory_space<vmem>>, %arg5: memref<32x10xf32, #tpu.memory_space<vmem>>, %arg6: memref<10xf32, #tpu.memory_space<vmem>>, %arg7: memref<128x10xf32, #tpu.memory_space<vmem>>) attributes {dimension_semantics = [], scalar_prefetch = 0 : i64, scratch_operands = 0 : i64, tpu.core_type = #tpu.core_type<tc>} {
    %get3A = arith.constant 0 : index
    %get3A_0 = arith.constant 0 : index
    %get3A_1 = vector.load %arg2[%get3A, %get3A_0] : memref<10112x1xf32, #tpu.memory_space<vmem>>, vector<10000x1xf32>
    %get3A_2 = arith.constant 0 : index
    %get3A_3 = arith.constant 0 : index
    %get3A_4 = arith.constant 0 : index
    %get3A_5 = vector.load %arg0[%get3A_2, %get3A_3, %get3A_4] : memref<2x10112x32xf32, #tpu.memory_space<vmem>>, vector<1x10000x32xf32>
    %get3A_6 = vector.shape_cast %get3A_5 : vector<1x10000x32xf32> to vector<10000x32xf32>
    %get3A_7 = arith.constant 1 : index
    %get3A_8 = arith.constant 0 : index
    %get3A_9 = arith.constant 0 : index
    %get3A_10 = vector.load %arg0[%get3A_7, %get3A_8, %get3A_9] : memref<2x10112x32xf32, #tpu.memory_space<vmem>>, vector<1x10000x32xf32>
    %get3A_11 = vector.shape_cast %get3A_10 : vector<1x10000x32xf32> to vector<10000x32xf32>
    %add3A = arith.addf %get3A_6, %get3A_11 : vector<10000x32xf32>
    %get3A_12 = arith.constant 0 : index
    %get3A_13 = arith.constant 0 : index
    %get3A_14 = vector.load %arg1[%get3A_12, %get3A_13] : memref<10000x32xf32, #tpu.memory_space<vmem>>, vector<10000x32xf32>
    %add3A_15 = arith.addf %add3A, %get3A_14 : vector<10000x32xf32>
    %mul3A = vector.broadcast %get3A_1 : vector<10000x1xf32> to vector<10000x32xf32>
    %mul3A_16 = arith.mulf %mul3A, %add3A_15 : vector<10000x32xf32>
    %get3A_17 = arith.constant 0 : index
    %get3A_18 = arith.constant 0 : index
    %get3A_19 = vector.load %arg3[%get3A_17, %get3A_18] : memref<1x32xf32, #tpu.memory_space<vmem>>, vector<1x32xf32>
    %add3A_20 = vector.broadcast %get3A_19 : vector<1x32xf32> to vector<10000x32xf32>
    %add3A_21 = arith.addf %mul3A_16, %add3A_20 : vector<10000x32xf32>
    %max3A = arith.constant 0.000000e+00 : f32
    %max3A_22 = vector.broadcast %max3A : f32 to vector<10000x32xf32>
    %max3A_23 = arith.maximumf %add3A_21, %max3A_22 : vector<10000x32xf32>
    %get3A_24 = arith.constant 0 : index
    %get3A_25 = arith.constant 0 : index
    %get3A_26 = vector.load %arg4[%get3A_24, %get3A_25] : memref<10000x1xi32, #tpu.memory_space<vmem>>, vector<10000x1xi32>
    %iota3A = tpu.iota {dimensions = array<i32: 1>} : vector<1x128xi32>
    %eq3A = vector.broadcast %get3A_26 : vector<10000x1xi32> to vector<10000x128xi32>
    %eq3A_27 = vector.broadcast %iota3A : vector<1x128xi32> to vector<10000x128xi32>
    %eq3A_28 = arith.cmpi eq, %eq3A, %eq3A_27 : vector<10000x128xi32>
    %convert_element_type3A = arith.extui %eq3A_28 : vector<10000x128xi1> to vector<10000x128xi32>
    %convert_element_type3A_29 = arith.sitofp %convert_element_type3A : vector<10000x128xi32> to vector<10000x128xf32>
    %dot_general3A = arith.constant dense<0.000000e+00> : vector<128x32xf32>
    %dot_general3A_30 = tpu.matmul %convert_element_type3A_29, %max3A_23, %dot_general3A {dimension_numbers = #tpu.dot_dimension_numbers<[0], [0], [1], [1], [0, 1, 1, 1], [], []>, transpose_lhs_hint = false} : vector<10000x128xf32>, vector<10000x32xf32>, vector<128x32xf32> -> vector<128x32xf32>
    %reduce_sum3A = arith.constant dense<0.000000e+00> : vector<128xf32>
    %reduce_sum3A_31 = vector.multi_reduction <add>, %convert_element_type3A_29, %reduce_sum3A [0] : vector<10000x128xf32> to vector<128xf32>
    %broadcast_in_dim3A = vector.shape_cast %reduce_sum3A_31 : vector<128xf32> to vector<128x1xf32>
    %max3A_32 = arith.constant 1.000000e+00 : f32
    %max3A_33 = vector.broadcast %max3A_32 : f32 to vector<128x1xf32>
    %max3A_34 = arith.maximumf %broadcast_in_dim3A, %max3A_33 : vector<128x1xf32>
    %div3A = vector.broadcast %max3A_34 : vector<128x1xf32> to vector<128x32xf32>
    %div3A_35 = arith.divf %dot_general3A_30, %div3A : vector<128x32xf32>
    %get3A_36 = arith.constant 0 : index
    %get3A_37 = arith.constant 0 : index
    %get3A_38 = vector.load %arg5[%get3A_36, %get3A_37] : memref<32x10xf32, #tpu.memory_space<vmem>>, vector<32x10xf32>
    %dot_general3A_39 = arith.constant dense<0.000000e+00> : vector<128x10xf32>
    %dot_general3A_40 = tpu.matmul %div3A_35, %get3A_38, %dot_general3A_39 {dimension_numbers = #tpu.dot_dimension_numbers<[1], [0], [0], [1], [0, 0, 1, 1], [], []>, transpose_lhs_hint = false} : vector<128x32xf32>, vector<32x10xf32>, vector<128x10xf32> -> vector<128x10xf32>
    %get3A_41 = arith.constant 0 : index
    %get3A_42 = vector.load %arg6[%get3A_41] : memref<10xf32, #tpu.memory_space<vmem>>, vector<10xf32>
    %broadcast_in_dim3A_43 = vector.shape_cast %get3A_42 : vector<10xf32> to vector<1x10xf32>
    %add3A_44 = vector.broadcast %broadcast_in_dim3A_43 : vector<1x10xf32> to vector<128x10xf32>
    %add3A_45 = arith.addf %dot_general3A_40, %add3A_44 : vector<128x10xf32>
    %max3A_46 = arith.constant 0.000000e+00 : f32
    %max3A_47 = vector.broadcast %max3A_46 : f32 to vector<128x10xf32>
    %max3A_48 = arith.maximumf %add3A_45, %max3A_47 : vector<128x10xf32>
    %reduce_max3A = arith.constant dense<0xFF800000> : vector<128xf32>
    %reduce_max3A_49 = vector.multi_reduction <maximumf>, %max3A_48, %reduce_max3A [1] : vector<128x10xf32> to vector<128xf32>
    %broadcast_in_dim3A_50 = vector.shape_cast %reduce_max3A_49 : vector<128xf32> to vector<128x1xf32>
    %sub3A = vector.broadcast %broadcast_in_dim3A_50 : vector<128x1xf32> to vector<128x10xf32>
    %sub3A_51 = arith.subf %max3A_48, %sub3A : vector<128x10xf32>
    %exp3A = math.exp %sub3A_51 : vector<128x10xf32>
    %reduce_sum3A_52 = arith.constant dense<0.000000e+00> : vector<128xf32>
    %reduce_sum3A_53 = vector.multi_reduction <add>, %exp3A, %reduce_sum3A_52 [1] : vector<128x10xf32> to vector<128xf32>
    %broadcast_in_dim3A_54 = vector.shape_cast %reduce_sum3A_53 : vector<128xf32> to vector<128x1xf32>
    %log3A = math.log %broadcast_in_dim3A_54 : vector<128x1xf32>
    %add3A_55 = arith.addf %broadcast_in_dim3A_50, %log3A : vector<128x1xf32>
    %sub3A_56 = vector.broadcast %add3A_55 : vector<128x1xf32> to vector<128x10xf32>
    %sub3A_57 = arith.subf %max3A_48, %sub3A_56 : vector<128x10xf32>
    %swap3A = arith.constant 0 : index
    %swap3A_58 = arith.constant 0 : index
    %swap3A_59 = vector.load %arg7[%swap3A, %swap3A_58] : memref<128x10xf32, #tpu.memory_space<vmem>>, vector<128x10xf32>
    tpu.vector_store %arg7[%swap3A, %swap3A_58], %sub3A_57 {strides = array<i32>} : memref<128x10xf32, #tpu.memory_space<vmem>>, vector<128x10xf32>,
    return
  }
}

</mosaic_0001>

<sc_bundles>
// kernel: kernel.10.cloned.1.call-start
scs
__scs_entry_jumppad:
0x0: {  	(pc) =	sbr.rel $0x88, $3  }
0x1: {  	(tag) =	ssettag $0x0;
	lr =	simm.s32 $0x1  }
0x2: {  	[smem:$0x3F96] =	sst lr;
	_ =	strace $0xD0000000  }
0x3: {  	_ = 	snop  }
0x4: {  	_ = 	snop  }
0x5: {  	_ = 	snop  }
0x6: {  	_ = 	snop  }
0x7: {  	_ = 	snop  }
__scs_overlays_trampoline_lowered:
0x8: {  	[smem:$0x3FA5] =	sst s0  }
0x9: {  	[smem:$0x3FA6] =	sst s1  }
0xa: {  	[smem:$0x3FA7] =	sst s2  }
0xb: {  	[smem:$0x3FA8] =	sst s3  }
0xc: {  	[smem:$0x3FA9] =	sst s4  }
0xd: {  	[smem:$0x3FAA] =	sst s5  }
0xe: {  	[smem:$0x3FAB] =	sst s6  }
0xf: {  	[smem:$0x3FAC] =	sst s7  }
0x10: {  	[smem:$0x3FAD] =	sst s8  }
0x11: {  	[smem:$0x3FAE] =	sst s9;
	s0 =	simm.s32 @!p0 $0x0  }
0x12: {  	s1 =	sld [smem:$0x3F94];
	s0 =	simm.s32 @p0 $0x1  }
0x13: {  	[smem:$0x3FAF] =	sst s0;
	s0 =	simm.s32 @!p1 $0x0  }
0x14: {  	s2 =	sld [smem:$0x3F93];
	s0 =	simm.s32 @p1 $0x1  }
0x15: {  	[smem:$0x3FB0] =	sst s0;
	s0 =	simm.s32 @!p2 $0x0  }
0x16: {  	s3 =	sld [smem:$0x3FDB];
	s0 =	simm.s32 @p2 $0x1  }
0x17: {  	s4 =	simm.s32 $0x1BF5;
	[smem:$0x3FB2] =	sst s0  }
0x18: {  	s0 =	sld [smem:$0x3F95];
	_ =	swait.ge [sflag:s4], $0x0  }
0x19: {  	s7 =	sld [smem:$0x3F96]  }
0x1a: {  	s8 =	sadd.s32 $0xFFFFE003, lr  }
0x1b: {  	s9 =	sadd.s32 $0xFFFFFEF7, lr;
	s5 =	simm.s32 $0xFFFFFFFF;
	p2 =	slt.u32 s8, $0xFFFFF086  }
0x1c: {  	p1 =	slt.u32 s9, $0xF7A;
	s5 =	simm.s32 @!p2 $0x0  }
0x1d: {  	s5 =	simm.s32 @p1 $0x1;
	p0 =	seq.s32 s7, s2  }
0x1e: {  	s7 =	smul.u32 @!p0 $0xF7A, s2;
	p2 =	seq.s32 @!p0 s5, $0x0  }
0x1f: {  	s9 =	smul.u32 $0xF7A, s1;
	s8 =	simm.s32 @!p0 $0x1BF5;
	p2 =	por !p2, p0  }
0x20: {  	[sflag:s8] =	ssyncset.s32 @!p0 $0xFFFFF086;
	s6 =	sadd.s32 @!p0 s3, s7;
	s7 =	simm.s32 @!p0 $0x108  }
0x21: {  	s3 =	sadd.s32 s3, s9;
	s6 =	sadd.s32 @!p0 $0x88, s6;
	s7 =	simm.s32 @p2 $0x1082  }
0x22: {  	[simem:s7], [sflag:s8] =	dma.local @!p0 [hbm:s6], $0xF7A  }
0x23: {  	s9 =	sor.u32 $0xD0000000, s2;
	s6 =	simm.s32 $0x108;
	_ =	swait.ge @!p0 [sflag:s8], $0x0  }
0x24: {  	s3 =	sadd.s32 $0x88, s3;
	s6 =	simm.s32 @!p1 $0x1082;
	[sflag:s4] =	ssyncset.s32 $0xFFFFF086  }
0x25: {  	[simem:s6], [sflag:s4] =	dma.local [hbm:s3], $0xF7A  }
0x26: {  	[smem:$0x3F96] =	sst s1;
	(tag) =	ssettag s2;
	_ =	strace s9  }
0x27: {  	s1 =	sld [smem:$0x3FA6]  }
0x28: {  	s2 =	sld [smem:$0x3FA7]  }
0x29: {  	s4 =	sld [smem:$0x3FA9]  }
0x2a: {  	p0 =	seq.s32 s5, $0x0;
	s5 =	sld [smem:$0x3FAA]  }
0x2b: {  	s6 =	sld [smem:$0x3FAB]  }
0x2c: {  	s7 =	sld [smem:$0x3FAC]  }
0x2d: {  	s3 =	simm.s32 $0x108;
	s8 =	sld [smem:$0x3FAD]  }
0x2e: {  	s3 =	simm.s32 @!p0 $0x1082;
	s9 =	sld [smem:$0x3FAE]  }
0x2f: {  	lr =	sadd.s32 s0, s3;
	s0 =	sld [smem:$0x3FA5]  }
0x30: {  	s3 =	sld [smem:$0x3FA8]  }
0x31: {  	[smem:$0x3FB1] =	sst s10  }
0x32: {  	s10 =	sld [smem:$0x3FAF];
	_ =	sdelay $0x3  }
0x33: {  	p0 =	seq.s32 s10, $0x1;
	s10 =	sld [smem:$0x3FB1];
	_ =	sdelay $0x3  }
0x34: {  	[smem:$0x3FB1] =	sst s10  }
0x35: {  	s10 =	sld [smem:$0x3FB0];
	_ =	sdelay $0x3  }
0x36: {  	p1 =	seq.s32 s10, $0x1;
	s10 =	sld [smem:$0x3FB1];
	_ =	sdelay $0x3  }
0x37: {  	[smem:$0x3FB1] =	sst s10  }
0x38: {  	s10 =	sld [smem:$0x3FB2]  }
0x39: {  	_ = 	snop;
	(pc) =	sbr.ind lr, $3  }
0x3a: {  	_ = 	snop  }
0x3b: {  	_ = 	snop  }
0x3c: {  	p2 =	seq.s32 s10, $0x1;
	s10 =	sld [smem:$0x3FB1]  }
0x3d: {  	_ =	shalt  }
0x3e: {  	_ =	shalt  }
0x3f: {  	_ =	shalt  }
0x40: {  	_ =	shalt  }
0x41: {  	_ =	shalt  }
0x42: {  	_ =	shalt  }
0x43: {  	_ =	shalt  }
0x44: {  	_ =	shalt  }
0x45: {  	_ =	shalt  }
0x46: {  	_ =	shalt  }
0x47: {  	_ =	shalt  }
0x48: {  	_ =	shalt  }
0x49: {  	_ =	shalt  }
0x4a: {  	_ =	shalt  }
0x4b: {  	_ =	shalt  }
0x4c: {  	_ =	shalt  }
0x4d: {  	_ =	shalt  }
0x4e: {  	_ =	shalt  }
0x4f: {  	_ =	shalt  }
0x50: {  	_ =	shalt  }
0x51: {  	_ =	shalt  }
0x52: {  	_ =	shalt  }
0x53: {  	_ =	shalt  }
0x54: {  	_ =	shalt  }
0x55: {  	_ =	shalt  }
0x56: {  	_ =	shalt  }
0x57: {  	_ =	shalt  }
0x58: {  	_ =	shalt  }
0x59: {  	_ =	shalt  }
0x5a: {  	_ =	shalt  }
0x5b: {  	_ =	shalt  }
0x5c: {  	_ =	shalt  }
0x5d: {  	_ =	shalt  }
0x5e: {  	_ =	shalt  }
0x5f: {  	_ =	shalt  }
0x60: {  	_ =	shalt  }
0x61: {  	_ =	shalt  }
0x62: {  	_ =	shalt  }
0x63: {  	_ =	shalt  }
0x64: {  	_ =	shalt  }
0x65: {  	_ =	shalt  }
0x66: {  	_ =	shalt  }
0x67: {  	_ =	shalt  }
0x68: {  	_ =	shalt  }
0x69: {  	_ =	shalt  }
0x6a: {  	_ =	shalt  }
0x6b: {  	_ =	shalt  }
0x6c: {  	_ =	shalt  }
0x6d: {  	_ =	shalt  }
0x6e: {  	_ =	shalt  }
0x6f: {  	_ =	shalt  }
0x70: {  	_ =	shalt  }
0x71: {  	_ =	shalt  }
0x72: {  	_ =	shalt  }
0x73: {  	_ =	shalt  }
0x74: {  	_ =	shalt  }
0x75: {  	_ =	shalt  }
0x76: {  	_ =	shalt  }
0x77: {  	_ =	shalt  }
0x78: {  	_ =	shalt  }
0x79: {  	_ =	shalt  }
0x7a: {  	_ =	shalt  }
0x7b: {  	_ =	shalt  }
0x7c: {  	_ =	shalt  }
0x7d: {  	_ =	shalt  }
0x7e: {  	_ =	shalt  }
0x7f: {  	_ =	shalt  }
0x80: {  	_ =	shalt  }
0x81: {  	_ =	shalt  }
0x82: {  	_ =	shalt  }
0x83: {  	_ =	shalt  }
0x84: {  	_ =	shalt  }
0x85: {  	_ =	shalt  }
0x86: {  	_ =	shalt  }
0x87: {  	_ =	shalt  }
.Lfunc_end0:
.L_simem_size_0:
called_computation_lowered:
.L_overlay_start_0:
0x88: {  	s2 =	sld [smem:$0x3FD9]  }
0x89: {  	s3 =	sld [smem:$0x3FFE];
	_ =	sdelay $0x1  }
0x8a: {  	s1 =	srdreg.scid  }
0x8b: {  	s0 =	sand.u32 $0x1, s1  }
0x8c: {  	s17 =	sshll.u32 s0, $0xA;
	s2 =	sadd.s32 s3, s2  }
0x8d: {  	s2 =	sadd.s32 s2, s17  }
0x8e: {  	[smem:$0x3FBD] =	sst s2  }
0x8f: {  	_ = 	snop  }
0x90: {  	s2 =	sld [smem:$0x3FD0];
	(tm) =	ssettm $0x1  }
0x91: {  	s18 =	sld [smem:$0x3FFB];
	_ =	sdelay $0x3  }
0x92: {  	_ =	strace s18  }
0x93: {  	s3 =	sld [smem:$0x3FFC];
	_ =	sdelay $0x3  }
0x94: {  	_ =	strace s3  }
0x95: {  	s3 =	sld [smem:$0x3FFD];
	_ =	sdelay $0x3  }
0x96: {  	_ =	strace s3  }
0x97: {  	_ =	strace $0x8FFFFFFF  }
0x98: {  	s19 =	sld [smem:$0x3FDB];
	_ =	sdelay $0x1  }
0x99: {  	s4 =	simm.s32 $_scs_section_size  }
0x9a: {  	s5 =	simm.s32 $_size__tile_overlayer_lowered;
	s6 =	simm.s32 $_tile_overlayer_lowered  }
0x9b: {  	s22 =	simm.s32 $0x1BFF;
	s21 =	sshll.u32 s6, $0x1;
	s3 =	sadd.s32 s4, s19  }
0x9c: {  	s7 =	simm.s32 $0x0;
	s20 =	sshll.u32 s5, $0x1;
	s5 =	sadd.s32 s21, s3  }
0x9d: {  	[timem:s7], [sflag:s22] =	dma.local [hbm:s5], s20  }
0x9e: {  	_ =	swait.ge [sflag:s22], s20  }
0x9f: {  	s4 =	ssub.s32 $0x0, s20;
	[sflag:s22] =	ssyncset.done $0x0  }
0xa0: {  	[sflag:s22] =	ssyncadd.s32 s4;
	_ =	sdelay $0x1  }
0xa1: {  	s23 =	simm.s32 $0x1B8B  }
0xa2: {  	_ =	swait.ge [sflag:s23], $0x1  }
0xa3: {  	[sflag:s23] =	ssyncset.done $0x0  }
0xa4: {  	s25 =	simm.s32 $0x1B8E;
	s24 =	sld [smem:$0x3FFE];
	[sflag:s23] =	ssyncadd.s32 $0xFFFFFFFF  }
0xa5: {  	s26 =	simm.s32 $execute0_lowered;
	[smem:$0x3FD2] =	sst s25  }
0xa6: {  	s5 =	sshll.u32 s26, $0x1;
	_ =	strace $0x80000046;
	[dreg:$0x1] =	wrdreg $0xFFFFFFFF  }
0xa7: {  	s28 =	simm.s32 $_size_execute0_lowered;
	s3 =	sadd.s32 s3, s5;
	[dreg:$0x0] =	wrdreg $0x0  }
0xa8: {  	s5 =	sshll.u32 s28, $0x1;
	[dreg:$0x2] =	wrdreg s3  }
0xa9: {  	[dreg:$0x3] =	wrdreg s5  }
0xaa: {  	[dreg:$0x4] =	wrdreg $0xC0  }
0xab: {  	_ =	task [dreg:s7], $0x5FFFF  }
0xac: {  	[dreg:$0x1] =	wrdreg $0xFFFFFFFF  }
0xad: {  	[dreg:$0x0] =	wrdreg $0x60  }
0xae: {  	[dreg:$0x2] =	wrdreg s24  }
0xaf: {  	[dreg:$0x3] =	wrdreg s2  }
0xb0: {  	[dreg:$0x4] =	wrdreg $0x2B800  }
0xb1: {  	[dreg:$0x5] =	wrdreg $0x9  }
0xb2: {  	_ =	task.clear_ibuf [dreg:s7], $0x6FFFF;
	_ =	strace $0x90000046  }
0xb3: {  	s29 =	simm.s32 $0x9;
	_ =	strace $0x80000048  }
0xb4: {  	_ =	swait.ge [sflag:s29], $0x1  }
0xb5: {  	[sflag:s29] =	ssyncadd.s32 $0xFFFFFFFF  }
0xb6: {  	_ =	strace $0x90000048  }
0xb7: {  	_ =	sfence  }
0xb8: {  	s30 =	sld [smem:$0x0];
	_ =	sdelay $0x2  }
0xb9: {  	s31 =	sshll.u32 s1, $0xD;
	s1 =	sshrl.u32 s1, $0x2  }
0xba: {  	s3 =	sand.u32 $0x4000, s31;
	s1 =	sadd.s32 s1, s30  }
0xbb: {  	s0 =	sor.u32 s3, s0;
	s1 =	sshll.u32 s1, $0x11  }
0xbc: {  	s0 =	sor.u32 s1, s0  }
0xbd: {  	s0 =	sadd.s32 $0x8F2B, s0  }
0xbe: {  	[sflag:s0] =	ssyncadd.remote.s32 $0x1  }
0xbf: {  	_ =	sfence.sel $0xFFFF  }
0xc0: {  	[dreg:$0x0] =	wrdreg $0xFFFFFFFF;
	(pc) =	sbr.abs _section_cstart, $3  }
0xc1: {  	[dreg:$0x1] =	wrdreg $0xFFFFFFFF  }
0xc2: {  	_ =	task.clear_ibuf [dreg:s7], $0x2FFFF;
	_ =	strace $0x9FFFFFFF  }
0xc3: {  	(tm) =	ssettm $0x7FFFFFFF  }
tec
execute0_lowered:
.L_overlay_start_1:
0x0: {  	(tag) =	ssettag $0x1  }
0x1: {  	s6 =	rddreg [dreg:$0x0]  }
0x2: {  	s1 =	srdreg.scid;
	s2 =	rddreg [dreg:$0x1]  }
0x3: {  	s0 =	stileid.u32;
	s3 =	rddreg [dreg:$0x2];
	s4 =	simm.s32 $0x0  }
0x4: {  	s12 =	simm.s32 $0x5;
	s13 =	simm.s32 $0x6;
	s14 =	simm.s32 $0x7  }
0x5: {  	s15 =	simm.s32 $0x80;
	s16 =	simm.s32 $0x100;
	s17 =	simm.s32 $0x1  }
0x6: {  	s18 =	simm.s32 $0x2;
	s19 =	simm.s32 $0x3;
	s21 =	simm.s32 $0x8  }
0x7: {  	s22 =	simm.s32 $0x0;
	s5 =	sand.u32 $0x1, s1;
	s30 =	sshll.u32 s0, $0x1  }
0x8: {  	s8 =	smul.u32 $0x13C0, s0;
	[smem:$0x7FF] =	sst s4;
	s20 =	sshll.u32 s0, $0x6  }
0x9: {  	s1 =	sor.u32 s5, s30;
	s9 =	smul.u32 $0x13C00, s5;
	s10 =	ssub.s32 $0x2, s5  }
0xa: {  	s5 =	sadd.s32 $0xC200, s6;
	s7 =	smul.u32 $0x4F0, s1;
	s1 =	rddreg [dreg:$0x3]  }
0xb: {  	_ =	strace $0x80000047;
	s11 =	sshrl.u32 s10, $0x1;
	s9 =	sadd.s32 s8, s9  }
0xc: {  	s31 =	sadd.s32 s8, s3;
	s10 =	ssub.s32 s10, s11;
	s9 =	sshrl.u32 s9, $0x3  }
0xd: {  	s11 =	sshrl.u32 s31, $0x3;
	s7 =	sadd.s32 s7, s6;
	s9 =	sadd.s32 s9, s6  }
0xe: {  	s6 =	sadd.s32 $0x2400, s7;
	s7 =	sor.u32 $0x1C07, s20;
	s20 =	sor.u32 $0x1C08, s20  }
0xf: {  	s8 =	sadd.s32 $0xC600, s9;
	s9 =	smax.u32 s10, $0x1;
	s10 =	simm.s32 $0x2780  }
.LBB2_1:
0x10: {  	[tilespmem:s4], [sflag:$0x5] =	stream.linear.gather [hbm4b:s6+s4], $0x2780, $0x38;
	[tilespmem:$0x3F40] =	vst v63  }
0x11: {  	_ = 	snop  }
0x12: {  	[tilespmem:s10], [sflag:$0x6] =	stream.linear.gather [hbm4b:s2+s4], $0x400, $0x38;
	[tilespmem:$0x3F40] =	vst v63  }
0x13: {  	[spmem:s11], [sflag:s7] =	dma.local [hbm:s5], $0x278  }
0x14: {  	_ =	swait.ge [sflag:s12], $0x2780  }
0x15: {  	[sflag:s12] =	ssyncset.done $0x0  }
0x16: {  	[sflag:s12] =	ssyncadd.s32 $0xFFFFD880  }
0x17: {  	_ =	swait.ge [sflag:s13], $0x400  }
0x18: {  	[sflag:s13] =	ssyncset.done $0x0  }
0x19: {  	[sflag:s13] =	ssyncadd.s32 $0xFFFFFC00  }
0x1a: {  	_ =	swait.ge [sflag:s14], $0x278  }
0x1b: {  	[sflag:s14] =	ssyncset.done $0x0  }
0x1c: {  	[sflag:s14] =	ssyncadd.s32 $0xFFFFFD88  }
0x1d: {  	[bflag:$0x0] =	sbarrier.arrive $0xFFFF  }
0x1e: {  	[spmem:s3] =	stream.indirect.scatter.add.f32 [tilespmem:s10], [sflag:$0x1], $0x8, s4, s15, $0xb8;
	[tilespmem:$0x3F40] =	vst v63  }
0x1f: {  	s23 =	simm.s32 $0x3  }
0x20: {  	[spmem:s3] =	stream.indirect.scatter.add.f32 [tilespmem:s10], [sflag:$0x2], $0x8, s15, s15, $0xb8;
	[tilespmem:$0x3F40] =	vst v63  }
0x21: {  	s24 =	simm.s32 $0x4;
	s25 =	sand.u32 $0x3, s23  }
0x22: {  	[spmem:s3] =	stream.indirect.scatter.add.f32 [tilespmem:s10], [sflag:$0x3], $0x8, s16, s15, $0xb8;
	[tilespmem:$0x3F40] =	vst v63  }
0x23: {  	s23 =	simm.s32 $0x180;
	s24 =	sand.u32 $0x3, s24;
	s25 =	sadd.s32 $0x1, s25  }
0x24: {  	[spmem:s3] =	stream.indirect.scatter.add.f32 [tilespmem:s10], [sflag:s25], $0x8, s23, s15, $0xb8;
	[tilespmem:$0x3F40] =	vst v63  }
0x25: {  	s25 =	sadd.s32 $0x1, s24  }
0x26: {  	s24 =	simm.s32 $0x5;
	_ =	swait.ge [sflag:s25], $0x400  }
.LBB2_2:
0x27: {  	s26 =	sadd.s32 $0xFFFFFFFF, s24;
	[sflag:s25] =	ssyncset.done $0x0  }
0x28: {  	s23 =	sadd.s32 $0x80, s23;
	s28 =	sand.u32 $0x3, s24;
	p0 =	sne.s32 s24, $0x4F  }
.Ltmp0:
0x29: {  	s26 =	sand.u32 $0x3, s26;
	[sflag:s25] =	ssyncadd.s32 $0xFFFFFC00;
	(pc) =	sbr.rel @p0 .LBB2_2-.Ltmp0, $4  }
0x2a: {  	s24 =	sadd.s32 $0x1, s24;
	s25 =	sadd.s32 $0x1, s26  }
0x2b: {  	[spmem:s3] =	stream.indirect.scatter.add.f32 [tilespmem:s10], [sflag:s25], $0x8, s23, s15, $0xb8;
	[tilespmem:$0x3F40] =	vst v63  }
0x2c: {  	s25 =	sadd.s32 $0x1, s28  }
0x2d: {  	_ =	swait.ge [sflag:s25], $0x400  }
0x2e: {  	[sflag:s25] =	ssyncset.done $0x0  }
0x2f: {  	[sflag:s25] =	ssyncadd.s32 $0xFFFFFC00  }
0x30: {  	_ =	swait.ge [sflag:s17], $0x400  }
0x31: {  	[sflag:s17] =	ssyncset.done $0x0  }
0x32: {  	[sflag:s17] =	ssyncadd.s32 $0xFFFFFC00  }
0x33: {  	_ =	swait.ge [sflag:s18], $0x400  }
0x34: {  	[sflag:s18] =	ssyncset.done $0x0  }
0x35: {  	[sflag:s18] =	ssyncadd.s32 $0xFFFFFC00  }
0x36: {  	_ =	swait.ge [sflag:s19], $0x400  }
0x37: {  	s22 =	sadd.s32 $0x1, s22;
	[sflag:s19] =	ssyncset.done $0x0  }
0x38: {  	p0 =	sne.s32 s22, s9;
	[sflag:s19] =	ssyncadd.s32 $0xFFFFFC00  }
.Ltmp1:
0x39: {  	[bflag:$0x0] =	sbarrier.arrive $0xFFFF;
	(pc) =	sbr.rel @p0 .LBB2_1-.Ltmp1, $4  }
0x3a: {  	[hbm:s8], [sflag:s20] =	dma.local [spmem:s11], $0x278  }
0x3b: {  	_ =	swait.ge [sflag:s21], $0x278  }
0x3c: {  	[sflag:s21] =	ssyncset.done $0x0  }
0x3d: {  	[sflag:s21] =	ssyncadd.s32 $0xFFFFFD88  }
0x3e: {  	_ =	sfence.sel $0x180000  }
0x3f: {  	[bflag:$0x0] =	sbarrier.arrive $0xFFFF  }
0x40: {  	p0 =	sne.s32 s0, $0x0;
	_ =	strace $0x90000047  }
0x41: {  	s0 =	sadd.s32 @!p0 $0x100000, s1;
	[bflag:$0x2] =	sbarrier.arrive $0xFFFF  }
0x42: {  	[sflag:s0] =	ssyncadd.tile.s32 @!p0 $0x1;
	_ =	shalt  }
.Lfunc_end2:
_tile_overlayer_lowered:
.L_overlay_start_2:
0x43: {  	(tag) =	ssettag $0x2  }
0x44: {  	s0 =	rddreg [dreg:$0x0];
	s2 =	stileid.u32  }
0x45: {  	s1 =	rddreg [dreg:$0x1];
	p0 =	sne.s32 s2, $0x0  }
0x46: {  	s3 =	rddreg [dreg:$0x2];
	[bflag:$0x3] =	sbarrier.arrive $0xFFFF;
	s2 =	simm.s32 @!p0 $0x1C08  }
0x47: {  	[timem:s3], [sflag:s2] =	dma.local @!p0 [hbm:s0], s1  }
0x48: {  	s0 =	simm.s32 @!p0 $0x8  }
0x49: {  	_ =	swait.ge @!p0 [sflag:s0], s1  }
0x4a: {  	s1 =	ssub.s32 @!p0 $0x0, s1;
	[sflag:s0] =	ssyncset.done @!p0 $0x0  }
0x4b: {  	[sflag:s0] =	ssyncadd.s32 @!p0 s1  }
0x4c: {  	[bflag:$0x3] =	sbarrier.arrive $0xFFFF  }
0x4d: {  	_ =	shalt  }

// kernel: kernel.13.cloned.1.call-start
scs
__scs_entry_jumppad:
0x0: {  	(pc) =	sbr.rel $0x88, $3  }
0x1: {  	(tag) =	ssettag $0x0;
	lr =	simm.s32 $0x1  }
0x2: {  	[smem:$0x3F96] =	sst lr;
	_ =	strace $0xD0000000  }
0x3: {  	_ = 	snop  }
0x4: {  	_ = 	snop  }
0x5: {  	_ = 	snop  }
0x6: {  	_ = 	snop  }
0x7: {  	_ = 	snop  }
__scs_overlays_trampoline_lowered:
0x8: {  	[smem:$0x3FA5] =	sst s0  }
0x9: {  	[smem:$0x3FA6] =	sst s1  }
0xa: {  	[smem:$0x3FA7] =	sst s2  }
0xb: {  	[smem:$0x3FA8] =	sst s3  }
0xc: {  	[smem:$0x3FA9] =	sst s4  }
0xd: {  	[smem:$0x3FAA] =	sst s5  }
0xe: {  	[smem:$0x3FAB] =	sst s6  }
0xf: {  	[smem:$0x3FAC] =	sst s7  }
0x10: {  	[smem:$0x3FAD] =	sst s8  }
0x11: {  	[smem:$0x3FAE] =	sst s9;
	s0 =	simm.s32 @!p0 $0x0  }
0x12: {  	s1 =	sld [smem:$0x3F94];
	s0 =	simm.s32 @p0 $0x1  }
0x13: {  	[smem:$0x3FAF] =	sst s0;
	s0 =	simm.s32 @!p1 $0x0  }
0x14: {  	s2 =	sld [smem:$0x3F93];
	s0 =	simm.s32 @p1 $0x1  }
0x15: {  	[smem:$0x3FB0] =	sst s0;
	s0 =	simm.s32 @!p2 $0x0  }
0x16: {  	s3 =	sld [smem:$0x3FDB];
	s0 =	simm.s32 @p2 $0x1  }
0x17: {  	s4 =	simm.s32 $0x1BF5;
	[smem:$0x3FB2] =	sst s0  }
0x18: {  	s0 =	sld [smem:$0x3F95];
	_ =	swait.ge [sflag:s4], $0x0  }
0x19: {  	s7 =	sld [smem:$0x3F96]  }
0x1a: {  	s8 =	sadd.s32 $0xFFFFE003, lr  }
0x1b: {  	s9 =	sadd.s32 $0xFFFFFEF7, lr;
	s5 =	simm.s32 $0xFFFFFFFF;
	p2 =	slt.u32 s8, $0xFFFFF086  }
0x1c: {  	p1 =	slt.u32 s9, $0xF7A;
	s5 =	simm.s32 @!p2 $0x0  }
0x1d: {  	s5 =	simm.s32 @p1 $0x1;
	p0 =	seq.s32 s7, s2  }
0x1e: {  	s7 =	smul.u32 @!p0 $0xF7A, s2;
	p2 =	seq.s32 @!p0 s5, $0x0  }
0x1f: {  	s9 =	smul.u32 $0xF7A, s1;
	s8 =	simm.s32 @!p0 $0x1BF5;
	p2 =	por !p2, p0  }
0x20: {  	[sflag:s8] =	ssyncset.s32 @!p0 $0xFFFFF086;
	s6 =	sadd.s32 @!p0 s3, s7;
	s7 =	simm.s32 @!p0 $0x108  }
0x21: {  	s3 =	sadd.s32 s3, s9;
	s6 =	sadd.s32 @!p0 $0x88, s6;
	s7 =	simm.s32 @p2 $0x1082  }
0x22: {  	[simem:s7], [sflag:s8] =	dma.local @!p0 [hbm:s6], $0xF7A  }
0x23: {  	s9 =	sor.u32 $0xD0000000, s2;
	s6 =	simm.s32 $0x108;
	_ =	swait.ge @!p0 [sflag:s8], $0x0  }
0x24: {  	s3 =	sadd.s32 $0x88, s3;
	s6 =	simm.s32 @!p1 $0x1082;
	[sflag:s4] =	ssyncset.s32 $0xFFFFF086  }
0x25: {  	[simem:s6], [sflag:s4] =	dma.local [hbm:s3], $0xF7A  }
0x26: {  	[smem:$0x3F96] =	sst s1;
	(tag) =	ssettag s2;
	_ =	strace s9  }
0x27: {  	s1 =	sld [smem:$0x3FA6]  }
0x28: {  	s2 =	sld [smem:$0x3FA7]  }
0x29: {  	s4 =	sld [smem:$0x3FA9]  }
0x2a: {  	p0 =	seq.s32 s5, $0x0;
	s5 =	sld [smem:$0x3FAA]  }
0x2b: {  	s6 =	sld [smem:$0x3FAB]  }
0x2c: {  	s7 =	sld [smem:$0x3FAC]  }
0x2d: {  	s3 =	simm.s32 $0x108;
	s8 =	sld [smem:$0x3FAD]  }
0x2e: {  	s3 =	simm.s32 @!p0 $0x1082;
	s9 =	sld [smem:$0x3FAE]  }
0x2f: {  	lr =	sadd.s32 s0, s3;
	s0 =	sld [smem:$0x3FA5]  }
0x30: {  	s3 =	sld [smem:$0x3FA8]  }
0x31: {  	[smem:$0x3FB1] =	sst s10  }
0x32: {  	s10 =	sld [smem:$0x3FAF];
	_ =	sdelay $0x3  }
0x33: {  	p0 =	seq.s32 s10, $0x1;
	s10 =	sld [smem:$0x3FB1];
	_ =	sdelay $0x3  }
0x34: {  	[smem:$0x3FB1] =	sst s10  }
0x35: {  	s10 =	sld [smem:$0x3FB0];
	_ =	sdelay $0x3  }
0x36: {  	p1 =	seq.s32 s10, $0x1;
	s10 =	sld [smem:$0x3FB1];
	_ =	sdelay $0x3  }
0x37: {  	[smem:$0x3FB1] =	sst s10  }
0x38: {  	s10 =	sld [smem:$0x3FB2]  }
0x39: {  	_ = 	snop;
	(pc) =	sbr.ind lr, $3  }
0x3a: {  	_ = 	snop  }
0x3b: {  	_ = 	snop  }
0x3c: {  	p2 =	seq.s32 s10, $0x1;
	s10 =	sld [smem:$0x3FB1]  }
0x3d: {  	_ =	shalt  }
0x3e: {  	_ =	shalt  }
0x3f: {  	_ =	shalt  }
0x40: {  	_ =	shalt  }
0x41: {  	_ =	shalt  }
0x42: {  	_ =	shalt  }
0x43: {  	_ =	shalt  }
0x44: {  	_ =	shalt  }
0x45: {  	_ =	shalt  }
0x46: {  	_ =	shalt  }
0x47: {  	_ =	shalt  }
0x48: {  	_ =	shalt  }
0x49: {  	_ =	shalt  }
0x4a: {  	_ =	shalt  }
0x4b: {  	_ =	shalt  }
0x4c: {  	_ =	shalt  }
0x4d: {  	_ =	shalt  }
0x4e: {  	_ =	shalt  }
0x4f: {  	_ =	shalt  }
0x50: {  	_ =	shalt  }
0x51: {  	_ =	shalt  }
0x52: {  	_ =	shalt  }
0x53: {  	_ =	shalt  }
0x54: {  	_ =	shalt  }
0x55: {  	_ =	shalt  }
0x56: {  	_ =	shalt  }
0x57: {  	_ =	shalt  }
0x58: {  	_ =	shalt  }
0x59: {  	_ =	shalt  }
0x5a: {  	_ =	shalt  }
0x5b: {  	_ =	shalt  }
0x5c: {  	_ =	shalt  }
0x5d: {  	_ =	shalt  }
0x5e: {  	_ =	shalt  }
0x5f: {  	_ =	shalt  }
0x60: {  	_ =	shalt  }
0x61: {  	_ =	shalt  }
0x62: {  	_ =	shalt  }
0x63: {  	_ =	shalt  }
0x64: {  	_ =	shalt  }
0x65: {  	_ =	shalt  }
0x66: {  	_ =	shalt  }
0x67: {  	_ =	shalt  }
0x68: {  	_ =	shalt  }
0x69: {  	_ =	shalt  }
0x6a: {  	_ =	shalt  }
0x6b: {  	_ =	shalt  }
0x6c: {  	_ =	shalt  }
0x6d: {  	_ =	shalt  }
0x6e: {  	_ =	shalt  }
0x6f: {  	_ =	shalt  }
0x70: {  	_ =	shalt  }
0x71: {  	_ =	shalt  }
0x72: {  	_ =	shalt  }
0x73: {  	_ =	shalt  }
0x74: {  	_ =	shalt  }
0x75: {  	_ =	shalt  }
0x76: {  	_ =	shalt  }
0x77: {  	_ =	shalt  }
0x78: {  	_ =	shalt  }
0x79: {  	_ =	shalt  }
0x7a: {  	_ =	shalt  }
0x7b: {  	_ =	shalt  }
0x7c: {  	_ =	shalt  }
0x7d: {  	_ =	shalt  }
0x7e: {  	_ =	shalt  }
0x7f: {  	_ =	shalt  }
0x80: {  	_ =	shalt  }
0x81: {  	_ =	shalt  }
0x82: {  	_ =	shalt  }
0x83: {  	_ =	shalt  }
0x84: {  	_ =	shalt  }
0x85: {  	_ =	shalt  }
0x86: {  	_ =	shalt  }
0x87: {  	_ =	shalt  }
.Lfunc_end0:
.L_simem_size_0:
called_computation.1_lowered:
.L_overlay_start_0:
0x88: {  	s2 =	sld [smem:$0x3FD9]  }
0x89: {  	s3 =	sld [smem:$0x3FFE];
	_ =	sdelay $0x1  }
0x8a: {  	s1 =	srdreg.scid  }
0x8b: {  	s0 =	sand.u32 $0x1, s1  }
0x8c: {  	s16 =	sshll.u32 s0, $0xA;
	s2 =	sadd.s32 s3, s2  }
0x8d: {  	s2 =	sadd.s32 s2, s16  }
0x8e: {  	[smem:$0x3FBD] =	sst s2  }
0x8f: {  	_ = 	snop  }
0x90: {  	(tm) =	ssettm $0x1  }
0x91: {  	s17 =	sld [smem:$0x3FFB];
	_ =	sdelay $0x3  }
0x92: {  	_ =	strace s17  }
0x93: {  	s2 =	sld [smem:$0x3FFC];
	_ =	sdelay $0x3  }
0x94: {  	_ =	strace s2  }
0x95: {  	s2 =	sld [smem:$0x3FFD];
	_ =	sdelay $0x3  }
0x96: {  	_ =	strace s2  }
0x97: {  	_ =	strace $0x8FFFFFFF  }
0x98: {  	s18 =	sld [smem:$0x3FDB];
	_ =	sdelay $0x1  }
0x99: {  	s19 =	simm.s32 $_scs_section_size  }
0x9a: {  	s4 =	simm.s32 $_size__tile_overlayer_lowered;
	s5 =	simm.s32 $_tile_overlayer_lowered  }
0x9b: {  	s22 =	simm.s32 $0x1BFF;
	s21 =	sshll.u32 s5, $0x1;
	s2 =	sadd.s32 s19, s18  }
0x9c: {  	s6 =	simm.s32 $0x0;
	s20 =	sshll.u32 s4, $0x1;
	s4 =	sadd.s32 s21, s2  }
0x9d: {  	[timem:s6], [sflag:s22] =	dma.local [hbm:s4], s20  }
0x9e: {  	_ =	swait.ge [sflag:s22], s20  }
0x9f: {  	s3 =	ssub.s32 $0x0, s20;
	[sflag:s22] =	ssyncset.done $0x0  }
0xa0: {  	[sflag:s22] =	ssyncadd.s32 s3;
	_ =	sdelay $0x1  }
0xa1: {  	s23 =	simm.s32 $0x1B8B  }
0xa2: {  	_ =	swait.ge [sflag:s23], $0x1  }
0xa3: {  	[sflag:s23] =	ssyncset.done $0x0  }
0xa4: {  	s25 =	simm.s32 $0x1B8E;
	s24 =	sld [smem:$0x3FFE];
	[sflag:s23] =	ssyncadd.s32 $0xFFFFFFFF  }
0xa5: {  	s26 =	simm.s32 $execute0_lowered;
	[smem:$0x3FD2] =	sst s25  }
0xa6: {  	s4 =	sshll.u32 s26, $0x1;
	_ =	strace $0x80000049;
	[dreg:$0x1] =	wrdreg $0xFFFFFFFF  }
0xa7: {  	s28 =	simm.s32 $_size_execute0_lowered;
	s2 =	sadd.s32 s2, s4;
	[dreg:$0x0] =	wrdreg $0x0  }
0xa8: {  	s4 =	sshll.u32 s28, $0x1;
	[dreg:$0x2] =	wrdreg s2  }
0xa9: {  	[dreg:$0x3] =	wrdreg s4  }
0xaa: {  	[dreg:$0x4] =	wrdreg $0xC0  }
0xab: {  	_ =	task [dreg:s6], $0x5FFFF  }
0xac: {  	[dreg:$0x1] =	wrdreg $0xFFFFFFFF  }
0xad: {  	[dreg:$0x0] =	wrdreg $0x60  }
0xae: {  	[dreg:$0x2] =	wrdreg s24  }
0xaf: {  	[dreg:$0x3] =	wrdreg $0x8F000  }
0xb0: {  	[dreg:$0x4] =	wrdreg $0x9  }
0xb1: {  	_ =	task.clear_ibuf [dreg:s6], $0x5FFFF;
	_ =	strace $0x90000049  }
0xb2: {  	s29 =	simm.s32 $0x9;
	_ =	strace $0x8000004B  }
0xb3: {  	_ =	swait.ge [sflag:s29], $0x1  }
0xb4: {  	[sflag:s29] =	ssyncadd.s32 $0xFFFFFFFF  }
0xb5: {  	_ =	strace $0x9000004B  }
0xb6: {  	_ =	sfence  }
0xb7: {  	s30 =	sld [smem:$0x0];
	_ =	sdelay $0x2  }
0xb8: {  	s31 =	sshll.u32 s1, $0xD;
	s1 =	sshrl.u32 s1, $0x2  }
0xb9: {  	s3 =	sand.u32 $0x4000, s31;
	s1 =	sadd.s32 s1, s30  }
0xba: {  	s0 =	sor.u32 s3, s0;
	s1 =	sshll.u32 s1, $0x11  }
0xbb: {  	s0 =	sor.u32 s1, s0  }
0xbc: {  	s0 =	sadd.s32 $0x8F2B, s0  }
0xbd: {  	[sflag:s0] =	ssyncadd.remote.s32 $0x1  }
0xbe: {  	_ =	sfence.sel $0xFFFF  }
0xbf: {  	[dreg:$0x0] =	wrdreg $0xFFFFFFFF;
	(pc) =	sbr.abs _section_cstart, $3  }
0xc0: {  	[dreg:$0x1] =	wrdreg $0xFFFFFFFF  }
0xc1: {  	_ =	task.clear_ibuf [dreg:s6], $0x2FFFF;
	_ =	strace $0x9FFFFFFF  }
0xc2: {  	(tm) =	ssettm $0x7FFFFFFF  }
0xc3: {  	_ =	shalt  }
tec
execute0_lowered:
.L_overlay_start_1:
0x0: {  	(tag) =	ssettag $0x1  }
0x1: {  	s0 =	rddreg [dreg:$0x0]  }
0x2: {  	s2 =	rddreg [dreg:$0x1]  }
0x3: {  	s1 =	srdreg.scid;
	s7 =	stileid.u32;
	s3 =	simm.s32 $0x0  }
0x4: {  	s12 =	simm.s32 $0x2780;
	s14 =	simm.s32 $0x9;
	s15 =	simm.s32 $0xA  }
0x5: {  	s16 =	simm.s32 $0x80;
	s17 =	simm.s32 $0x4F00;
	s21 =	simm.s32 $0xB  }
0x6: {  	s22 =	simm.s32 $0x1;
	s24 =	simm.s32 $0x7F00;
	s25 =	simm.s32 $0x7  }
0x7: {  	s26 =	simm.s32 $0xC;
	s28 =	simm.s32 $0x0;
	s1 =	sand.u32 $0x1, s1  }
0x8: {  	s4 =	sshll.u32 s7, $0x1;
	s9 =	smul.u32 $0x4F00, s7;
	[smem:$0x7FF] =	sst s3  }
0x9: {  	s7 =	sshll.u32 s7, $0x6;
	s4 =	sor.u32 s1, s4;
	s5 =	smul.u32 $0x4F000, s1  }
0xa: {  	_ =	strace $0x8000004A;
	s1 =	ssub.s32 $0x2, s1;
	s6 =	smul.u32 $0x4F0, s4  }
0xb: {  	s4 =	sadd.s32 $0x1B400, s0;
	s31 =	sshrl.u32 s1, $0x1;
	s13 =	sadd.s32 s9, s2  }
0xc: {  	s5 =	sadd.s32 s9, s5;
	s1 =	ssub.s32 s1, s31;
	s9 =	sor.u32 $0x1C0B, s7  }
0xd: {  	s13 =	sshrl.u32 s13, $0x3;
	s8 =	sadd.s32 s6, s0;
	s30 =	sshrl.u32 s5, $0x3  }
0xe: {  	s5 =	sadd.s32 $0xC200, s0;
	s11 =	smax.u32 s1, $0x1;
	s0 =	sadd.s32 s30, s0  }
0xf: {  	s6 =	sadd.s32 $0x11600, s8;
	s8 =	sadd.s32 $0x2400, s8;
	s10 =	sadd.s32 $0x25200, s0  }
.LBB2_1:
0x10: {  	[tilespmem:s3], [sflag:$0x9] =	stream.linear.gather [hbm4b:s6+s3], $0x2780, $0x38;
	[tilespmem:$0xDE00] =	vst v63  }
0x11: {  	_ = 	snop  }
0x12: {  	[tilespmem:s12], [sflag:$0xA] =	stream.linear.gather [hbm4b:s8+s3], $0x2780, $0x38;
	[tilespmem:$0xDE00] =	vst v63  }
0x13: {  	[spmem:s13], [sflag:s9] =	dma.local [hbm:s5], $0x9E0  }
0x14: {  	_ =	swait.ge [sflag:s14], $0x2780  }
0x15: {  	[sflag:s14] =	ssyncset.done $0x0  }
0x16: {  	[sflag:s14] =	ssyncadd.s32 $0xFFFFD880  }
0x17: {  	_ =	swait.ge [sflag:s15], $0x2780  }
0x18: {  	[sflag:s15] =	ssyncset.done $0x0  }
0x19: {  	[sflag:s15] =	ssyncadd.s32 $0xFFFFD880  }
0x1a: {  	[tilespmem:s17], [sflag:$0x1] =	stream.indirect.gather [hbm4b:s4+s16], $0x20, s3, s16, $0xb8;
	[tilespmem:$0xDE00] =	vst v63  }
0x1b: {  	s0 =	simm.s32 $0x5F00  }
0x1c: {  	[tilespmem:s0], [sflag:$0x2] =	stream.indirect.gather [hbm4b:s4+s16], $0x20, s16, s16, $0xb8;
	[tilespmem:$0xDE00] =	vst v63  }
0x1d: {  	s23 =	simm.s32 $0x100;
	s1 =	simm.s32 $0x6F00  }
0x1e: {  	[tilespmem:s1], [sflag:$0x3] =	stream.indirect.gather [hbm4b:s4+s16], $0x20, s23, s16, $0xb8;
	[tilespmem:$0xDE00] =	vst v63  }
0x1f: {  	_ =	swait.ge [sflag:s21], $0x9E0  }
0x20: {  	[sflag:s21] =	ssyncset.done $0x0  }
0x21: {  	[sflag:s21] =	ssyncadd.s32 $0xFFFFF620  }
0x22: {  	[bflag:$0x0] =	sbarrier.arrive $0xFFFF  }
0x23: {  	s18 =	simm.s32 $0x180;
	_ =	swait.ge [sflag:s22], $0x1000  }
0x24: {  	s19 =	simm.s32 $0x1;
	s20 =	simm.s32 $0x4;
	[sflag:s22] =	ssyncset.done $0x0  }
0x25: {  	s30 =	simm.s32 $0x200;
	s0 =	sand.u32 $0x3, s19;
	[sflag:s22] =	ssyncadd.s32 $0xFFFFF000  }
0x26: {  	[spmem:s2] =	stream.indirect.scatter.add.f32 [tilespmem:s17], [sflag:$0x5], $0x20, s12, s16, $0xb8;
	[tilespmem:$0xDE00] =	vst v63  }
0x27: {  	s29 =	simm.s32 $0x5;
	p0 =	por $0x0, $0x0;
	s19 =	sadd.s32 $0x1, s0  }
0x28: {  	[tilespmem:s24], [sflag:$0x4] =	stream.indirect.gather [hbm4b:s4+s16], $0x20, s18, s16, $0xb8;
	[tilespmem:$0xDE00] =	vst v63  }
0x29: {  	s31 =	sshll.u32 s0, $0xC;
	s0 =	sadd.s32 $0x5, s0;
	_ =	swait.ge [sflag:s19], $0x1000  }
0x2a: {  	s1 =	sand.u32 $0x3, s20;
	s31 =	sor.u32 $0x4F00, s31;
	[sflag:s19] =	ssyncset.done $0x0  }
0x2b: {  	s23 =	sadd.s32 $0x5, s1;
	s18 =	simm.s32 $0x2800;
	[sflag:s19] =	ssyncadd.s32 $0xFFFFF000  }
0x2c: {  	[spmem:s2] =	stream.indirect.scatter.add.f32 [tilespmem:s31], [sflag:s0], $0x20, s18, s16, $0xb8;
	[tilespmem:$0xDE00] =	vst v63  }
0x2d: {  	s19 =	simm.s32 @!p0 $0x80;
	s18 =	sshll.u32 @!p0 s1, $0xC;
	_ =	swait.ge [sflag:s23], $0x1000  }
0x2e: {  	s1 =	sadd.s32 @!p0 $0x1, s1;
	s31 =	simm.s32 $0x2880;
	[sflag:s23] =	ssyncset.done $0x0  }
0x2f: {  	s0 =	simm.s32 $0x280;
	s18 =	sor.u32 @!p0 $0x4F00, s18;
	[sflag:s23] =	ssyncadd.s32 $0xFFFFF000  }
.LBB2_2:
0x30: {  	[tilespmem:s18], [sflag:s1] =	stream.indirect.gather @!p0 [hbm4b:s4+s19], $0x20, s30, s19, $0xb8;
	[tilespmem:$0xDE00] =	vst v63  }
0x31: {  	s1 =	sadd.s32 $0xFFFFFFFD, s29;
	s18 =	smov.u32 s29;
	s29 =	sadd.s32 $0x1, s29  }
0x32: {  	s30 =	smov.u32 s0;
	s19 =	sand.u32 $0x3, s1;
	p1 =	sne.s32 s29, $0x52  }
0x33: {  	s20 =	sshll.u32 s19, $0xC;
	s23 =	sadd.s32 $0x1, s19  }
0x34: {  	p0 =	sgt.u32 s1, $0x4B;
	s18 =	sand.u32 $0x3, s18;
	_ =	swait.ge [sflag:s23], $0x1000  }
0x35: {  	s1 =	sadd.s32 $0x5, s19;
	s19 =	sor.u32 $0x4F00, s20;
	[sflag:s23] =	ssyncset.done $0x0  }
.Ltmp0:
0x36: {  	s20 =	sadd.s32 $0x5, s18;
	[sflag:s23] =	ssyncadd.s32 $0xFFFFF000;
	(pc) =	sbr.rel @p1 .LBB2_2-.Ltmp0, $4  }
0x37: {  	[spmem:s2] =	stream.indirect.scatter.add.f32 [tilespmem:s19], [sflag:s1], $0x20, s31, s16, $0xb8;
	[tilespmem:$0xDE00] =	vst v63  }
0x38: {  	s19 =	sshll.u32 @!p0 s18, $0xC;
	s1 =	sadd.s32 @!p0 $0x1, s18;
	_ =	swait.ge [sflag:s20], $0x1000  }
0x39: {  	s0 =	sadd.s32 $0x80, s0;
	s31 =	sadd.s32 $0x80, s31;
	[sflag:s20] =	ssyncset.done $0x0  }
0x3a: {  	s18 =	sor.u32 @!p0 $0x4F00, s19;
	s19 =	simm.s32 @!p0 $0x80;
	[sflag:s20] =	ssyncadd.s32 $0xFFFFF000  }
0x3b: {  	[tilespmem:s18], [sflag:s1] =	stream.indirect.gather @!p0 [hbm4b:s4+s19], $0x20, s30, s19, $0xb8;
	[tilespmem:$0xDE00] =	vst v63  }
0x3c: {  	_ =	swait.ge [sflag:s25], $0x1000  }
0x3d: {  	s28 =	sadd.s32 $0x1, s28;
	[sflag:s25] =	ssyncset.done $0x0  }
0x3e: {  	p0 =	sne.s32 s28, s11;
	[sflag:s25] =	ssyncadd.s32 $0xFFFFF000  }
.Ltmp1:
0x3f: {  	s0 =	sor.u32 $0x1C0C, s7;
	[bflag:$0x0] =	sbarrier.arrive $0xFFFF;
	(pc) =	sbr.rel @p0 .LBB2_1-.Ltmp1, $4  }
0x40: {  	[hbm:s10], [sflag:s0] =	dma.local [spmem:s13], $0x9E0  }
0x41: {  	_ =	swait.ge [sflag:s26], $0x9E0  }
0x42: {  	[sflag:s26] =	ssyncset.done $0x0  }
0x43: {  	[sflag:s26] =	ssyncadd.s32 $0xFFFFF620  }
0x44: {  	_ =	sfence.sel $0x180000  }
0x45: {  	[bflag:$0x0] =	sbarrier.arrive $0xFFFF  }
0x46: {  	_ =	strace $0x9000004A  }
0x47: {  	s0 =	stileid.u32;
	[bflag:$0x2] =	sbarrier.arrive $0xFFFF  }
0x48: {  	p0 =	sne.s32 s0, $0x0;
	s0 =	rddreg [dreg:$0x2]  }
0x49: {  	s0 =	sadd.s32 @!p0 $0x100000, s0  }
0x4a: {  	[sflag:s0] =	ssyncadd.tile.s32 @!p0 $0x1;
	_ =	shalt  }
.Lfunc_end2:
_tile_overlayer_lowered:
.L_overlay_start_2:
0x4b: {  	(tag) =	ssettag $0x2  }
0x4c: {  	s0 =	rddreg [dreg:$0x0];
	s2 =	stileid.u32  }
0x4d: {  	s1 =	rddreg [dreg:$0x1];
	p0 =	sne.s32 s2, $0x0  }
0x4e: {  	s3 =	rddreg [dreg:$0x2];
	[bflag:$0x3] =	sbarrier.arrive $0xFFFF;
	s2 =	simm.s32 @!p0 $0x1C0C  }
0x4f: {  	[timem:s3], [sflag:s2] =	dma.local @!p0 [hbm:s0], s1  }
0x50: {  	s0 =	simm.s32 @!p0 $0xC  }
0x51: {  	_ =	swait.ge @!p0 [sflag:s0], s1  }
0x52: {  	s1 =	ssub.s32 @!p0 $0x0, s1;
	[sflag:s0] =	ssyncset.done @!p0 $0x0  }
0x53: {  	[sflag:s0] =	ssyncadd.s32 @!p0 s1  }
0x54: {  	[bflag:$0x3] =	sbarrier.arrive $0xFFFF  }
0x55: {  	_ =	shalt  }

// kernel: kernel.16.cloned.1.call-start
scs
__scs_entry_jumppad:
0x0: {  	(pc) =	sbr.rel $0x88, $3  }
0x1: {  	(tag) =	ssettag $0x0;
	lr =	simm.s32 $0x1  }
0x2: {  	[smem:$0x3F96] =	sst lr;
	_ =	strace $0xD0000000  }
0x3: {  	_ = 	snop  }
0x4: {  	_ = 	snop  }
0x5: {  	_ = 	snop  }
0x6: {  	_ = 	snop  }
0x7: {  	_ = 	snop  }
__scs_overlays_trampoline_lowered:
0x8: {  	[smem:$0x3FA5] =	sst s0  }
0x9: {  	[smem:$0x3FA6] =	sst s1  }
0xa: {  	[smem:$0x3FA7] =	sst s2  }
0xb: {  	[smem:$0x3FA8] =	sst s3  }
0xc: {  	[smem:$0x3FA9] =	sst s4  }
0xd: {  	[smem:$0x3FAA] =	sst s5  }
0xe: {  	[smem:$0x3FAB] =	sst s6  }
0xf: {  	[smem:$0x3FAC] =	sst s7  }
0x10: {  	[smem:$0x3FAD] =	sst s8  }
0x11: {  	[smem:$0x3FAE] =	sst s9;
	s0 =	simm.s32 @!p0 $0x0  }
0x12: {  	s1 =	sld [smem:$0x3F94];
	s0 =	simm.s32 @p0 $0x1  }
0x13: {  	[smem:$0x3FAF] =	sst s0;
	s0 =	simm.s32 @!p1 $0x0  }
0x14: {  	s2 =	sld [smem:$0x3F93];
	s0 =	simm.s32 @p1 $0x1  }
0x15: {  	[smem:$0x3FB0] =	sst s0;
	s0 =	simm.s32 @!p2 $0x0  }
0x16: {  	s3 =	sld [smem:$0x3FDB];
	s0 =	simm.s32 @p2 $0x1  }
0x17: {  	s4 =	simm.s32 $0x1BF5;
	[smem:$0x3FB2] =	sst s0  }
0x18: {  	s0 =	sld [smem:$0x3F95];
	_ =	swait.ge [sflag:s4], $0x0  }
0x19: {  	s7 =	sld [smem:$0x3F96]  }
0x1a: {  	s8 =	sadd.s32 $0xFFFFE003, lr  }
0x1b: {  	s9 =	sadd.s32 $0xFFFFFEF7, lr;
	s5 =	simm.s32 $0xFFFFFFFF;
	p2 =	slt.u32 s8, $0xFFFFF086  }
0x1c: {  	p1 =	slt.u32 s9, $0xF7A;
	s5 =	simm.s32 @!p2 $0x0  }
0x1d: {  	s5 =	simm.s32 @p1 $0x1;
	p0 =	seq.s32 s7, s2  }
0x1e: {  	s7 =	smul.u32 @!p0 $0xF7A, s2;
	p2 =	seq.s32 @!p0 s5, $0x0  }
0x1f: {  	s9 =	smul.u32 $0xF7A, s1;
	s8 =	simm.s32 @!p0 $0x1BF5;
	p2 =	por !p2, p0  }
0x20: {  	[sflag:s8] =	ssyncset.s32 @!p0 $0xFFFFF086;
	s6 =	sadd.s32 @!p0 s3, s7;
	s7 =	simm.s32 @!p0 $0x108  }
0x21: {  	s3 =	sadd.s32 s3, s9;
	s6 =	sadd.s32 @!p0 $0x88, s6;
	s7 =	simm.s32 @p2 $0x1082  }
0x22: {  	[simem:s7], [sflag:s8] =	dma.local @!p0 [hbm:s6], $0xF7A  }
0x23: {  	s9 =	sor.u32 $0xD0000000, s2;
	s6 =	simm.s32 $0x108;
	_ =	swait.ge @!p0 [sflag:s8], $0x0  }
0x24: {  	s3 =	sadd.s32 $0x88, s3;
	s6 =	simm.s32 @!p1 $0x1082;
	[sflag:s4] =	ssyncset.s32 $0xFFFFF086  }
0x25: {  	[simem:s6], [sflag:s4] =	dma.local [hbm:s3], $0xF7A  }
0x26: {  	[smem:$0x3F96] =	sst s1;
	(tag) =	ssettag s2;
	_ =	strace s9  }
0x27: {  	s1 =	sld [smem:$0x3FA6]  }
0x28: {  	s2 =	sld [smem:$0x3FA7]  }
0x29: {  	s4 =	sld [smem:$0x3FA9]  }
0x2a: {  	p0 =	seq.s32 s5, $0x0;
	s5 =	sld [smem:$0x3FAA]  }
0x2b: {  	s6 =	sld [smem:$0x3FAB]  }
0x2c: {  	s7 =	sld [smem:$0x3FAC]  }
0x2d: {  	s3 =	simm.s32 $0x108;
	s8 =	sld [smem:$0x3FAD]  }
0x2e: {  	s3 =	simm.s32 @!p0 $0x1082;
	s9 =	sld [smem:$0x3FAE]  }
0x2f: {  	lr =	sadd.s32 s0, s3;
	s0 =	sld [smem:$0x3FA5]  }
0x30: {  	s3 =	sld [smem:$0x3FA8]  }
0x31: {  	[smem:$0x3FB1] =	sst s10  }
0x32: {  	s10 =	sld [smem:$0x3FAF];
	_ =	sdelay $0x3  }
0x33: {  	p0 =	seq.s32 s10, $0x1;
	s10 =	sld [smem:$0x3FB1];
	_ =	sdelay $0x3  }
0x34: {  	[smem:$0x3FB1] =	sst s10  }
0x35: {  	s10 =	sld [smem:$0x3FB0];
	_ =	sdelay $0x3  }
0x36: {  	p1 =	seq.s32 s10, $0x1;
	s10 =	sld [smem:$0x3FB1];
	_ =	sdelay $0x3  }
0x37: {  	[smem:$0x3FB1] =	sst s10  }
0x38: {  	s10 =	sld [smem:$0x3FB2]  }
0x39: {  	_ = 	snop;
	(pc) =	sbr.ind lr, $3  }
0x3a: {  	_ = 	snop  }
0x3b: {  	_ = 	snop  }
0x3c: {  	p2 =	seq.s32 s10, $0x1;
	s10 =	sld [smem:$0x3FB1]  }
0x3d: {  	_ =	shalt  }
0x3e: {  	_ =	shalt  }
0x3f: {  	_ =	shalt  }
0x40: {  	_ =	shalt  }
0x41: {  	_ =	shalt  }
0x42: {  	_ =	shalt  }
0x43: {  	_ =	shalt  }
0x44: {  	_ =	shalt  }
0x45: {  	_ =	shalt  }
0x46: {  	_ =	shalt  }
0x47: {  	_ =	shalt  }
0x48: {  	_ =	shalt  }
0x49: {  	_ =	shalt  }
0x4a: {  	_ =	shalt  }
0x4b: {  	_ =	shalt  }
0x4c: {  	_ =	shalt  }
0x4d: {  	_ =	shalt  }
0x4e: {  	_ =	shalt  }
0x4f: {  	_ =	shalt  }
0x50: {  	_ =	shalt  }
0x51: {  	_ =	shalt  }
0x52: {  	_ =	shalt  }
0x53: {  	_ =	shalt  }
0x54: {  	_ =	shalt  }
0x55: {  	_ =	shalt  }
0x56: {  	_ =	shalt  }
0x57: {  	_ =	shalt  }
0x58: {  	_ =	shalt  }
0x59: {  	_ =	shalt  }
0x5a: {  	_ =	shalt  }
0x5b: {  	_ =	shalt  }
0x5c: {  	_ =	shalt  }
0x5d: {  	_ =	shalt  }
0x5e: {  	_ =	shalt  }
0x5f: {  	_ =	shalt  }
0x60: {  	_ =	shalt  }
0x61: {  	_ =	shalt  }
0x62: {  	_ =	shalt  }
0x63: {  	_ =	shalt  }
0x64: {  	_ =	shalt  }
0x65: {  	_ =	shalt  }
0x66: {  	_ =	shalt  }
0x67: {  	_ =	shalt  }
0x68: {  	_ =	shalt  }
0x69: {  	_ =	shalt  }
0x6a: {  	_ =	shalt  }
0x6b: {  	_ =	shalt  }
0x6c: {  	_ =	shalt  }
0x6d: {  	_ =	shalt  }
0x6e: {  	_ =	shalt  }
0x6f: {  	_ =	shalt  }
0x70: {  	_ =	shalt  }
0x71: {  	_ =	shalt  }
0x72: {  	_ =	shalt  }
0x73: {  	_ =	shalt  }
0x74: {  	_ =	shalt  }
0x75: {  	_ =	shalt  }
0x76: {  	_ =	shalt  }
0x77: {  	_ =	shalt  }
0x78: {  	_ =	shalt  }
0x79: {  	_ =	shalt  }
0x7a: {  	_ =	shalt  }
0x7b: {  	_ =	shalt  }
0x7c: {  	_ =	shalt  }
0x7d: {  	_ =	shalt  }
0x7e: {  	_ =	shalt  }
0x7f: {  	_ =	shalt  }
0x80: {  	_ =	shalt  }
0x81: {  	_ =	shalt  }
0x82: {  	_ =	shalt  }
0x83: {  	_ =	shalt  }
0x84: {  	_ =	shalt  }
0x85: {  	_ =	shalt  }
0x86: {  	_ =	shalt  }
0x87: {  	_ =	shalt  }
.Lfunc_end0:
.L_simem_size_0:
called_computation.2_lowered:
.L_overlay_start_0:
0x88: {  	s2 =	sld [smem:$0x3FD9]  }
0x89: {  	s3 =	sld [smem:$0x3FFE];
	_ =	sdelay $0x1  }
0x8a: {  	s1 =	srdreg.scid  }
0x8b: {  	s0 =	sand.u32 $0x1, s1  }
0x8c: {  	s16 =	sshll.u32 s0, $0xA;
	s2 =	sadd.s32 s3, s2  }
0x8d: {  	s2 =	sadd.s32 s2, s16  }
0x8e: {  	[smem:$0x3FBD] =	sst s2  }
0x8f: {  	_ = 	snop  }
0x90: {  	(tm) =	ssettm $0x1  }
0x91: {  	s17 =	sld [smem:$0x3FFB];
	_ =	sdelay $0x3  }
0x92: {  	_ =	strace s17  }
0x93: {  	s2 =	sld [smem:$0x3FFC];
	_ =	sdelay $0x3  }
0x94: {  	_ =	strace s2  }
0x95: {  	s2 =	sld [smem:$0x3FFD];
	_ =	sdelay $0x3  }
0x96: {  	_ =	strace s2  }
0x97: {  	_ =	strace $0x8FFFFFFF  }
0x98: {  	s18 =	sld [smem:$0x3FDB];
	_ =	sdelay $0x1  }
0x99: {  	s19 =	simm.s32 $_scs_section_size  }
0x9a: {  	s4 =	simm.s32 $_size__tile_overlayer_lowered;
	s5 =	simm.s32 $_tile_overlayer_lowered  }
0x9b: {  	s22 =	simm.s32 $0x1BFF;
	s21 =	sshll.u32 s5, $0x1;
	s2 =	sadd.s32 s19, s18  }
0x9c: {  	s6 =	simm.s32 $0x0;
	s20 =	sshll.u32 s4, $0x1;
	s4 =	sadd.s32 s21, s2  }
0x9d: {  	[timem:s6], [sflag:s22] =	dma.local [hbm:s4], s20  }
0x9e: {  	_ =	swait.ge [sflag:s22], s20  }
0x9f: {  	s3 =	ssub.s32 $0x0, s20;
	[sflag:s22] =	ssyncset.done $0x0  }
0xa0: {  	[sflag:s22] =	ssyncadd.s32 s3;
	_ =	sdelay $0x1  }
0xa1: {  	s23 =	simm.s32 $0x1B8B  }
0xa2: {  	_ =	swait.ge [sflag:s23], $0x1  }
0xa3: {  	[sflag:s23] =	ssyncset.done $0x0  }
0xa4: {  	s25 =	simm.s32 $0x1B8E;
	s24 =	sld [smem:$0x3FFE];
	[sflag:s23] =	ssyncadd.s32 $0xFFFFFFFF  }
0xa5: {  	s26 =	simm.s32 $execute0_lowered;
	[smem:$0x3FD2] =	sst s25  }
0xa6: {  	s4 =	sshll.u32 s26, $0x1;
	_ =	strace $0x8000004C;
	[dreg:$0x1] =	wrdreg $0xFFFFFFFF  }
0xa7: {  	s28 =	simm.s32 $_size_execute0_lowered;
	s2 =	sadd.s32 s2, s4;
	[dreg:$0x0] =	wrdreg $0x0  }
0xa8: {  	s4 =	sshll.u32 s28, $0x1;
	[dreg:$0x2] =	wrdreg s2  }
0xa9: {  	[dreg:$0x3] =	wrdreg s4  }
0xaa: {  	[dreg:$0x4] =	wrdreg $0xC0  }
0xab: {  	_ =	task [dreg:s6], $0x5FFFF  }
0xac: {  	[dreg:$0x1] =	wrdreg $0xFFFFFFFF  }
0xad: {  	[dreg:$0x0] =	wrdreg $0x60  }
0xae: {  	[dreg:$0x2] =	wrdreg s24  }
0xaf: {  	[dreg:$0x3] =	wrdreg $0x8F000  }
0xb0: {  	[dreg:$0x4] =	wrdreg $0x9  }
0xb1: {  	_ =	task.clear_ibuf [dreg:s6], $0x5FFFF;
	_ =	strace $0x9000004C  }
0xb2: {  	s29 =	simm.s32 $0x9;
	_ =	strace $0x8000004E  }
0xb3: {  	_ =	swait.ge [sflag:s29], $0x1  }
0xb4: {  	[sflag:s29] =	ssyncadd.s32 $0xFFFFFFFF  }
0xb5: {  	_ =	strace $0x9000004E  }
0xb6: {  	_ =	sfence  }
0xb7: {  	s30 =	sld [smem:$0x0];
	_ =	sdelay $0x2  }
0xb8: {  	s31 =	sshll.u32 s1, $0xD;
	s1 =	sshrl.u32 s1, $0x2  }
0xb9: {  	s3 =	sand.u32 $0x4000, s31;
	s1 =	sadd.s32 s1, s30  }
0xba: {  	s0 =	sor.u32 s3, s0;
	s1 =	sshll.u32 s1, $0x11  }
0xbb: {  	s0 =	sor.u32 s1, s0  }
0xbc: {  	s0 =	sadd.s32 $0x8F2B, s0  }
0xbd: {  	[sflag:s0] =	ssyncadd.remote.s32 $0x1  }
0xbe: {  	_ =	sfence.sel $0xFFFF  }
0xbf: {  	[dreg:$0x0] =	wrdreg $0xFFFFFFFF;
	(pc) =	sbr.abs _section_cstart, $3  }
0xc0: {  	[dreg:$0x1] =	wrdreg $0xFFFFFFFF  }
0xc1: {  	_ =	task.clear_ibuf [dreg:s6], $0x2FFFF;
	_ =	strace $0x9FFFFFFF  }
0xc2: {  	(tm) =	ssettm $0x7FFFFFFF  }
0xc3: {  	_ =	shalt  }
tec
execute0_lowered:
.L_overlay_start_1:
0x0: {  	(tag) =	ssettag $0x1  }
0x1: {  	s0 =	rddreg [dreg:$0x0]  }
0x2: {  	s2 =	rddreg [dreg:$0x1]  }
0x3: {  	s1 =	srdreg.scid;
	s7 =	stileid.u32;
	s3 =	simm.s32 $0x0  }
0x4: {  	s12 =	simm.s32 $0x2780;
	s14 =	simm.s32 $0x9;
	s15 =	simm.s32 $0xA  }
0x5: {  	s16 =	simm.s32 $0x80;
	s17 =	simm.s32 $0x4F00;
	s21 =	simm.s32 $0xB  }
0x6: {  	s22 =	simm.s32 $0x1;
	s24 =	simm.s32 $0x7F00;
	s25 =	simm.s32 $0x7  }
0x7: {  	s26 =	simm.s32 $0xC;
	s28 =	simm.s32 $0x0;
	s1 =	sand.u32 $0x1, s1  }
0x8: {  	s4 =	sshll.u32 s7, $0x1;
	s9 =	smul.u32 $0x4F00, s7;
	[smem:$0x7FF] =	sst s3  }
0x9: {  	s7 =	sshll.u32 s7, $0x6;
	s4 =	sor.u32 s1, s4;
	s5 =	smul.u32 $0x4F000, s1  }
0xa: {  	_ =	strace $0x8000004D;
	s1 =	ssub.s32 $0x2, s1;
	s6 =	smul.u32 $0x4F0, s4  }
0xb: {  	s4 =	sadd.s32 $0x1B400, s0;
	s31 =	sshrl.u32 s1, $0x1;
	s13 =	sadd.s32 s9, s2  }
0xc: {  	s5 =	sadd.s32 s9, s5;
	s1 =	ssub.s32 s1, s31;
	s9 =	sor.u32 $0x1C0B, s7  }
0xd: {  	s13 =	sshrl.u32 s13, $0x3;
	s8 =	sadd.s32 s6, s0;
	s30 =	sshrl.u32 s5, $0x3  }
0xe: {  	s5 =	sadd.s32 $0xC200, s0;
	s11 =	smax.u32 s1, $0x1;
	s0 =	sadd.s32 s30, s0  }
0xf: {  	s6 =	sadd.s32 $0x11600, s8;
	s8 =	sadd.s32 $0x2400, s8;
	s10 =	sadd.s32 $0x25200, s0  }
.LBB2_1:
0x10: {  	[tilespmem:s3], [sflag:$0x9] =	stream.linear.gather [hbm4b:s6+s3], $0x2780, $0x38;
	[tilespmem:$0xDE00] =	vst v63  }
0x11: {  	_ = 	snop  }
0x12: {  	[tilespmem:s12], [sflag:$0xA] =	stream.linear.gather [hbm4b:s8+s3], $0x2780, $0x38;
	[tilespmem:$0xDE00] =	vst v63  }
0x13: {  	[spmem:s13], [sflag:s9] =	dma.local [hbm:s5], $0x9E0  }
0x14: {  	_ =	swait.ge [sflag:s14], $0x2780  }
0x15: {  	[sflag:s14] =	ssyncset.done $0x0  }
0x16: {  	[sflag:s14] =	ssyncadd.s32 $0xFFFFD880  }
0x17: {  	_ =	swait.ge [sflag:s15], $0x2780  }
0x18: {  	[sflag:s15] =	ssyncset.done $0x0  }
0x19: {  	[sflag:s15] =	ssyncadd.s32 $0xFFFFD880  }
0x1a: {  	[tilespmem:s17], [sflag:$0x1] =	stream.indirect.gather [hbm4b:s4+s16], $0x20, s3, s16, $0xb8;
	[tilespmem:$0xDE00] =	vst v63  }
0x1b: {  	s0 =	simm.s32 $0x5F00  }
0x1c: {  	[tilespmem:s0], [sflag:$0x2] =	stream.indirect.gather [hbm4b:s4+s16], $0x20, s16, s16, $0xb8;
	[tilespmem:$0xDE00] =	vst v63  }
0x1d: {  	s23 =	simm.s32 $0x100;
	s1 =	simm.s32 $0x6F00  }
0x1e: {  	[tilespmem:s1], [sflag:$0x3] =	stream.indirect.gather [hbm4b:s4+s16], $0x20, s23, s16, $0xb8;
	[tilespmem:$0xDE00] =	vst v63  }
0x1f: {  	_ =	swait.ge [sflag:s21], $0x9E0  }
0x20: {  	[sflag:s21] =	ssyncset.done $0x0  }
0x21: {  	[sflag:s21] =	ssyncadd.s32 $0xFFFFF620  }
0x22: {  	[bflag:$0x0] =	sbarrier.arrive $0xFFFF  }
0x23: {  	s18 =	simm.s32 $0x180;
	_ =	swait.ge [sflag:s22], $0x1000  }
0x24: {  	s19 =	simm.s32 $0x1;
	s20 =	simm.s32 $0x4;
	[sflag:s22] =	ssyncset.done $0x0  }
0x25: {  	s30 =	simm.s32 $0x200;
	s0 =	sand.u32 $0x3, s19;
	[sflag:s22] =	ssyncadd.s32 $0xFFFFF000  }
0x26: {  	[spmem:s2] =	stream.indirect.scatter.add.f32 [tilespmem:s17], [sflag:$0x5], $0x20, s12, s16, $0xb8;
	[tilespmem:$0xDE00] =	vst v63  }
0x27: {  	s29 =	simm.s32 $0x5;
	p0 =	por $0x0, $0x0;
	s19 =	sadd.s32 $0x1, s0  }
0x28: {  	[tilespmem:s24], [sflag:$0x4] =	stream.indirect.gather [hbm4b:s4+s16], $0x20, s18, s16, $0xb8;
	[tilespmem:$0xDE00] =	vst v63  }
0x29: {  	s31 =	sshll.u32 s0, $0xC;
	s0 =	sadd.s32 $0x5, s0;
	_ =	swait.ge [sflag:s19], $0x1000  }
0x2a: {  	s1 =	sand.u32 $0x3, s20;
	s31 =	sor.u32 $0x4F00, s31;
	[sflag:s19] =	ssyncset.done $0x0  }
0x2b: {  	s23 =	sadd.s32 $0x5, s1;
	s18 =	simm.s32 $0x2800;
	[sflag:s19] =	ssyncadd.s32 $0xFFFFF000  }
0x2c: {  	[spmem:s2] =	stream.indirect.scatter.add.f32 [tilespmem:s31], [sflag:s0], $0x20, s18, s16, $0xb8;
	[tilespmem:$0xDE00] =	vst v63  }
0x2d: {  	s19 =	simm.s32 @!p0 $0x80;
	s18 =	sshll.u32 @!p0 s1, $0xC;
	_ =	swait.ge [sflag:s23], $0x1000  }
0x2e: {  	s1 =	sadd.s32 @!p0 $0x1, s1;
	s31 =	simm.s32 $0x2880;
	[sflag:s23] =	ssyncset.done $0x0  }
0x2f: {  	s0 =	simm.s32 $0x280;
	s18 =	sor.u32 @!p0 $0x4F00, s18;
	[sflag:s23] =	ssyncadd.s32 $0xFFFFF000  }
.LBB2_2:
0x30: {  	[tilespmem:s18], [sflag:s1] =	stream.indirect.gather @!p0 [hbm4b:s4+s19], $0x20, s30, s19, $0xb8;
	[tilespmem:$0xDE00] =	vst v63  }
0x31: {  	s1 =	sadd.s32 $0xFFFFFFFD, s29;
	s18 =	smov.u32 s29;
	s29 =	sadd.s32 $0x1, s29  }
0x32: {  	s30 =	smov.u32 s0;
	s19 =	sand.u32 $0x3, s1;
	p1 =	sne.s32 s29, $0x52  }
0x33: {  	s20 =	sshll.u32 s19, $0xC;
	s23 =	sadd.s32 $0x1, s19  }
0x34: {  	p0 =	sgt.u32 s1, $0x4B;
	s18 =	sand.u32 $0x3, s18;
	_ =	swait.ge [sflag:s23], $0x1000  }
0x35: {  	s1 =	sadd.s32 $0x5, s19;
	s19 =	sor.u32 $0x4F00, s20;
	[sflag:s23] =	ssyncset.done $0x0  }
.Ltmp0:
0x36: {  	s20 =	sadd.s32 $0x5, s18;
	[sflag:s23] =	ssyncadd.s32 $0xFFFFF000;
	(pc) =	sbr.rel @p1 .LBB2_2-.Ltmp0, $4  }
0x37: {  	[spmem:s2] =	stream.indirect.scatter.add.f32 [tilespmem:s19], [sflag:s1], $0x20, s31, s16, $0xb8;
	[tilespmem:$0xDE00] =	vst v63  }
0x38: {  	s19 =	sshll.u32 @!p0 s18, $0xC;
	s1 =	sadd.s32 @!p0 $0x1, s18;
	_ =	swait.ge [sflag:s20], $0x1000  }
0x39: {  	s0 =	sadd.s32 $0x80, s0;
	s31 =	sadd.s32 $0x80, s31;
	[sflag:s20] =	ssyncset.done $0x0  }
0x3a: {  	s18 =	sor.u32 @!p0 $0x4F00, s19;
	s19 =	simm.s32 @!p0 $0x80;
	[sflag:s20] =	ssyncadd.s32 $0xFFFFF000  }
0x3b: {  	[tilespmem:s18], [sflag:s1] =	stream.indirect.gather @!p0 [hbm4b:s4+s19], $0x20, s30, s19, $0xb8;
	[tilespmem:$0xDE00] =	vst v63  }
0x3c: {  	_ =	swait.ge [sflag:s25], $0x1000  }
0x3d: {  	s28 =	sadd.s32 $0x1, s28;
	[sflag:s25] =	ssyncset.done $0x0  }
0x3e: {  	p0 =	sne.s32 s28, s11;
	[sflag:s25] =	ssyncadd.s32 $0xFFFFF000  }
.Ltmp1:
0x3f: {  	s0 =	sor.u32 $0x1C0C, s7;
	[bflag:$0x0] =	sbarrier.arrive $0xFFFF;
	(pc) =	sbr.rel @p0 .LBB2_1-.Ltmp1, $4  }
0x40: {  	[hbm:s10], [sflag:s0] =	dma.local [spmem:s13], $0x9E0  }
0x41: {  	_ =	swait.ge [sflag:s26], $0x9E0  }
0x42: {  	[sflag:s26] =	ssyncset.done $0x0  }
0x43: {  	[sflag:s26] =	ssyncadd.s32 $0xFFFFF620  }
0x44: {  	_ =	sfence.sel $0x180000  }
0x45: {  	[bflag:$0x0] =	sbarrier.arrive $0xFFFF  }
0x46: {  	_ =	strace $0x9000004D  }
0x47: {  	s0 =	stileid.u32;
	[bflag:$0x2] =	sbarrier.arrive $0xFFFF  }
0x48: {  	p0 =	sne.s32 s0, $0x0;
	s0 =	rddreg [dreg:$0x2]  }
0x49: {  	s0 =	sadd.s32 @!p0 $0x100000, s0  }
0x4a: {  	[sflag:s0] =	ssyncadd.tile.s32 @!p0 $0x1;
	_ =	shalt  }
.Lfunc_end2:
_tile_overlayer_lowered:
.L_overlay_start_2:
0x4b: {  	(tag) =	ssettag $0x2  }
0x4c: {  	s0 =	rddreg [dreg:$0x0];
	s2 =	stileid.u32  }
0x4d: {  	s1 =	rddreg [dreg:$0x1];
	p0 =	sne.s32 s2, $0x0  }
0x4e: {  	s3 =	rddreg [dreg:$0x2];
	[bflag:$0x3] =	sbarrier.arrive $0xFFFF;
	s2 =	simm.s32 @!p0 $0x1C0C  }
0x4f: {  	[timem:s3], [sflag:s2] =	dma.local @!p0 [hbm:s0], s1  }
0x50: {  	s0 =	simm.s32 @!p0 $0xC  }
0x51: {  	_ =	swait.ge @!p0 [sflag:s0], s1  }
0x52: {  	s1 =	ssub.s32 @!p0 $0x0, s1;
	[sflag:s0] =	ssyncset.done @!p0 $0x0  }
0x53: {  	[sflag:s0] =	ssyncadd.s32 @!p0 s1  }
0x54: {  	[bflag:$0x3] =	sbarrier.arrive $0xFFFF  }
0x55: {  	_ =	shalt  }

// kernel: kernel.19.cloned.1.call-start
scs
__scs_entry_jumppad:
0x0: {  	(pc) =	sbr.rel $0x88, $3  }
0x1: {  	(tag) =	ssettag $0x0;
	lr =	simm.s32 $0x1  }
0x2: {  	[smem:$0x3F96] =	sst lr;
	_ =	strace $0xD0000000  }
0x3: {  	_ = 	snop  }
0x4: {  	_ = 	snop  }
0x5: {  	_ = 	snop  }
0x6: {  	_ = 	snop  }
0x7: {  	_ = 	snop  }
__scs_overlays_trampoline_lowered:
0x8: {  	[smem:$0x3FA5] =	sst s0  }
0x9: {  	[smem:$0x3FA6] =	sst s1  }
0xa: {  	[smem:$0x3FA7] =	sst s2  }
0xb: {  	[smem:$0x3FA8] =	sst s3  }
0xc: {  	[smem:$0x3FA9] =	sst s4  }
0xd: {  	[smem:$0x3FAA] =	sst s5  }
0xe: {  	[smem:$0x3FAB] =	sst s6  }
0xf: {  	[smem:$0x3FAC] =	sst s7  }
0x10: {  	[smem:$0x3FAD] =	sst s8  }
0x11: {  	[smem:$0x3FAE] =	sst s9;
	s0 =	simm.s32 @!p0 $0x0  }
0x12: {  	s1 =	sld [smem:$0x3F94];
	s0 =	simm.s32 @p0 $0x1  }
0x13: {  	[smem:$0x3FAF] =	sst s0;
	s0 =	simm.s32 @!p1 $0x0  }
0x14: {  	s2 =	sld [smem:$0x3F93];
	s0 =	simm.s32 @p1 $0x1  }
0x15: {  	[smem:$0x3FB0] =	sst s0;
	s0 =	simm.s32 @!p2 $0x0  }
0x16: {  	s3 =	sld [smem:$0x3FDB];
	s0 =	simm.s32 @p2 $0x1  }
0x17: {  	s4 =	simm.s32 $0x1BF5;
	[smem:$0x3FB2] =	sst s0  }
0x18: {  	s0 =	sld [smem:$0x3F95];
	_ =	swait.ge [sflag:s4], $0x0  }
0x19: {  	s7 =	sld [smem:$0x3F96]  }
0x1a: {  	s8 =	sadd.s32 $0xFFFFE003, lr  }
0x1b: {  	s9 =	sadd.s32 $0xFFFFFEF7, lr;
	s5 =	simm.s32 $0xFFFFFFFF;
	p2 =	slt.u32 s8, $0xFFFFF086  }
0x1c: {  	p1 =	slt.u32 s9, $0xF7A;
	s5 =	simm.s32 @!p2 $0x0  }
0x1d: {  	s5 =	simm.s32 @p1 $0x1;
	p0 =	seq.s32 s7, s2  }
0x1e: {  	s7 =	smul.u32 @!p0 $0xF7A, s2;
	p2 =	seq.s32 @!p0 s5, $0x0  }
0x1f: {  	s9 =	smul.u32 $0xF7A, s1;
	s8 =	simm.s32 @!p0 $0x1BF5;
	p2 =	por !p2, p0  }
0x20: {  	[sflag:s8] =	ssyncset.s32 @!p0 $0xFFFFF086;
	s6 =	sadd.s32 @!p0 s3, s7;
	s7 =	simm.s32 @!p0 $0x108  }
0x21: {  	s3 =	sadd.s32 s3, s9;
	s6 =	sadd.s32 @!p0 $0x88, s6;
	s7 =	simm.s32 @p2 $0x1082  }
0x22: {  	[simem:s7], [sflag:s8] =	dma.local @!p0 [hbm:s6], $0xF7A  }
0x23: {  	s9 =	sor.u32 $0xD0000000, s2;
	s6 =	simm.s32 $0x108;
	_ =	swait.ge @!p0 [sflag:s8], $0x0  }
0x24: {  	s3 =	sadd.s32 $0x88, s3;
	s6 =	simm.s32 @!p1 $0x1082;
	[sflag:s4] =	ssyncset.s32 $0xFFFFF086  }
0x25: {  	[simem:s6], [sflag:s4] =	dma.local [hbm:s3], $0xF7A  }
0x26: {  	[smem:$0x3F96] =	sst s1;
	(tag) =	ssettag s2;
	_ =	strace s9  }
0x27: {  	s1 =	sld [smem:$0x3FA6]  }
0x28: {  	s2 =	sld [smem:$0x3FA7]  }
0x29: {  	s4 =	sld [smem:$0x3FA9]  }
0x2a: {  	p0 =	seq.s32 s5, $0x0;
	s5 =	sld [smem:$0x3FAA]  }
0x2b: {  	s6 =	sld [smem:$0x3FAB]  }
0x2c: {  	s7 =	sld [smem:$0x3FAC]  }
0x2d: {  	s3 =	simm.s32 $0x108;
	s8 =	sld [smem:$0x3FAD]  }
0x2e: {  	s3 =	simm.s32 @!p0 $0x1082;
	s9 =	sld [smem:$0x3FAE]  }
0x2f: {  	lr =	sadd.s32 s0, s3;
	s0 =	sld [smem:$0x3FA5]  }
0x30: {  	s3 =	sld [smem:$0x3FA8]  }
0x31: {  	[smem:$0x3FB1] =	sst s10  }
0x32: {  	s10 =	sld [smem:$0x3FAF];
	_ =	sdelay $0x3  }
0x33: {  	p0 =	seq.s32 s10, $0x1;
	s10 =	sld [smem:$0x3FB1];
	_ =	sdelay $0x3  }
0x34: {  	[smem:$0x3FB1] =	sst s10  }
0x35: {  	s10 =	sld [smem:$0x3FB0];
	_ =	sdelay $0x3  }
0x36: {  	p1 =	seq.s32 s10, $0x1;
	s10 =	sld [smem:$0x3FB1];
	_ =	sdelay $0x3  }
0x37: {  	[smem:$0x3FB1] =	sst s10  }
0x38: {  	s10 =	sld [smem:$0x3FB2]  }
0x39: {  	_ = 	snop;
	(pc) =	sbr.ind lr, $3  }
0x3a: {  	_ = 	snop  }
0x3b: {  	_ = 	snop  }
0x3c: {  	p2 =	seq.s32 s10, $0x1;
	s10 =	sld [smem:$0x3FB1]  }
0x3d: {  	_ =	shalt  }
0x3e: {  	_ =	shalt  }
0x3f: {  	_ =	shalt  }
0x40: {  	_ =	shalt  }
0x41: {  	_ =	shalt  }
0x42: {  	_ =	shalt  }
0x43: {  	_ =	shalt  }
0x44: {  	_ =	shalt  }
0x45: {  	_ =	shalt  }
0x46: {  	_ =	shalt  }
0x47: {  	_ =	shalt  }
0x48: {  	_ =	shalt  }
0x49: {  	_ =	shalt  }
0x4a: {  	_ =	shalt  }
0x4b: {  	_ =	shalt  }
0x4c: {  	_ =	shalt  }
0x4d: {  	_ =	shalt  }
0x4e: {  	_ =	shalt  }
0x4f: {  	_ =	shalt  }
0x50: {  	_ =	shalt  }
0x51: {  	_ =	shalt  }
0x52: {  	_ =	shalt  }
0x53: {  	_ =	shalt  }
0x54: {  	_ =	shalt  }
0x55: {  	_ =	shalt  }
0x56: {  	_ =	shalt  }
0x57: {  	_ =	shalt  }
0x58: {  	_ =	shalt  }
0x59: {  	_ =	shalt  }
0x5a: {  	_ =	shalt  }
0x5b: {  	_ =	shalt  }
0x5c: {  	_ =	shalt  }
0x5d: {  	_ =	shalt  }
0x5e: {  	_ =	shalt  }
0x5f: {  	_ =	shalt  }
0x60: {  	_ =	shalt  }
0x61: {  	_ =	shalt  }
0x62: {  	_ =	shalt  }
0x63: {  	_ =	shalt  }
0x64: {  	_ =	shalt  }
0x65: {  	_ =	shalt  }
0x66: {  	_ =	shalt  }
0x67: {  	_ =	shalt  }
0x68: {  	_ =	shalt  }
0x69: {  	_ =	shalt  }
0x6a: {  	_ =	shalt  }
0x6b: {  	_ =	shalt  }
0x6c: {  	_ =	shalt  }
0x6d: {  	_ =	shalt  }
0x6e: {  	_ =	shalt  }
0x6f: {  	_ =	shalt  }
0x70: {  	_ =	shalt  }
0x71: {  	_ =	shalt  }
0x72: {  	_ =	shalt  }
0x73: {  	_ =	shalt  }
0x74: {  	_ =	shalt  }
0x75: {  	_ =	shalt  }
0x76: {  	_ =	shalt  }
0x77: {  	_ =	shalt  }
0x78: {  	_ =	shalt  }
0x79: {  	_ =	shalt  }
0x7a: {  	_ =	shalt  }
0x7b: {  	_ =	shalt  }
0x7c: {  	_ =	shalt  }
0x7d: {  	_ =	shalt  }
0x7e: {  	_ =	shalt  }
0x7f: {  	_ =	shalt  }
0x80: {  	_ =	shalt  }
0x81: {  	_ =	shalt  }
0x82: {  	_ =	shalt  }
0x83: {  	_ =	shalt  }
0x84: {  	_ =	shalt  }
0x85: {  	_ =	shalt  }
0x86: {  	_ =	shalt  }
0x87: {  	_ =	shalt  }
.Lfunc_end0:
.L_simem_size_0:
called_computation.3_lowered:
.L_overlay_start_0:
0x88: {  	s2 =	sld [smem:$0x3FD9]  }
0x89: {  	s3 =	sld [smem:$0x3FFE];
	_ =	sdelay $0x1  }
0x8a: {  	s1 =	srdreg.scid  }
0x8b: {  	s0 =	sand.u32 $0x1, s1  }
0x8c: {  	s16 =	sshll.u32 s0, $0xA;
	s2 =	sadd.s32 s3, s2  }
0x8d: {  	s2 =	sadd.s32 s2, s16  }
0x8e: {  	[smem:$0x3FBD] =	sst s2  }
0x8f: {  	_ = 	snop  }
0x90: {  	(tm) =	ssettm $0x1  }
0x91: {  	s17 =	sld [smem:$0x3FFB];
	_ =	sdelay $0x3  }
0x92: {  	_ =	strace s17  }
0x93: {  	s2 =	sld [smem:$0x3FFC];
	_ =	sdelay $0x3  }
0x94: {  	_ =	strace s2  }
0x95: {  	s2 =	sld [smem:$0x3FFD];
	_ =	sdelay $0x3  }
0x96: {  	_ =	strace s2  }
0x97: {  	_ =	strace $0x8FFFFFFF  }
0x98: {  	s18 =	sld [smem:$0x3FDB];
	_ =	sdelay $0x1  }
0x99: {  	s19 =	simm.s32 $_scs_section_size  }
0x9a: {  	s4 =	simm.s32 $_size__tile_overlayer_lowered;
	s5 =	simm.s32 $_tile_overlayer_lowered  }
0x9b: {  	s22 =	simm.s32 $0x1BFF;
	s21 =	sshll.u32 s5, $0x1;
	s2 =	sadd.s32 s19, s18  }
0x9c: {  	s6 =	simm.s32 $0x0;
	s20 =	sshll.u32 s4, $0x1;
	s4 =	sadd.s32 s21, s2  }
0x9d: {  	[timem:s6], [sflag:s22] =	dma.local [hbm:s4], s20  }
0x9e: {  	_ =	swait.ge [sflag:s22], s20  }
0x9f: {  	s3 =	ssub.s32 $0x0, s20;
	[sflag:s22] =	ssyncset.done $0x0  }
0xa0: {  	[sflag:s22] =	ssyncadd.s32 s3;
	_ =	sdelay $0x1  }
0xa1: {  	s23 =	simm.s32 $0x1B8B  }
0xa2: {  	_ =	swait.ge [sflag:s23], $0x1  }
0xa3: {  	[sflag:s23] =	ssyncset.done $0x0  }
0xa4: {  	s25 =	simm.s32 $0x1B8E;
	s24 =	sld [smem:$0x3FFE];
	[sflag:s23] =	ssyncadd.s32 $0xFFFFFFFF  }
0xa5: {  	s26 =	simm.s32 $execute0_lowered;
	[smem:$0x3FD2] =	sst s25  }
0xa6: {  	s4 =	sshll.u32 s26, $0x1;
	_ =	strace $0x8000004F;
	[dreg:$0x1] =	wrdreg $0xFFFFFFFF  }
0xa7: {  	s28 =	simm.s32 $_size_execute0_lowered;
	s2 =	sadd.s32 s2, s4;
	[dreg:$0x0] =	wrdreg $0x0  }
0xa8: {  	s4 =	sshll.u32 s28, $0x1;
	[dreg:$0x2] =	wrdreg s2  }
0xa9: {  	[dreg:$0x3] =	wrdreg s4  }
0xaa: {  	[dreg:$0x4] =	wrdreg $0xC0  }
0xab: {  	_ =	task [dreg:s6], $0x5FFFF  }
0xac: {  	[dreg:$0x1] =	wrdreg $0xFFFFFFFF  }
0xad: {  	[dreg:$0x0] =	wrdreg $0x60  }
0xae: {  	[dreg:$0x2] =	wrdreg s24  }
0xaf: {  	[dreg:$0x3] =	wrdreg $0x8F000  }
0xb0: {  	[dreg:$0x4] =	wrdreg $0x9  }
0xb1: {  	_ =	task.clear_ibuf [dreg:s6], $0x5FFFF;
	_ =	strace $0x9000004F  }
0xb2: {  	s29 =	simm.s32 $0x9;
	_ =	strace $0x80000051  }
0xb3: {  	_ =	swait.ge [sflag:s29], $0x1  }
0xb4: {  	[sflag:s29] =	ssyncadd.s32 $0xFFFFFFFF  }
0xb5: {  	_ =	strace $0x90000051  }
0xb6: {  	_ =	sfence  }
0xb7: {  	s30 =	sld [smem:$0x0];
	_ =	sdelay $0x2  }
0xb8: {  	s31 =	sshll.u32 s1, $0xD;
	s1 =	sshrl.u32 s1, $0x2  }
0xb9: {  	s3 =	sand.u32 $0x4000, s31;
	s1 =	sadd.s32 s1, s30  }
0xba: {  	s0 =	sor.u32 s3, s0;
	s1 =	sshll.u32 s1, $0x11  }
0xbb: {  	s0 =	sor.u32 s1, s0  }
0xbc: {  	s0 =	sadd.s32 $0x8F2B, s0  }
0xbd: {  	[sflag:s0] =	ssyncadd.remote.s32 $0x1  }
0xbe: {  	_ =	sfence.sel $0xFFFF  }
0xbf: {  	[dreg:$0x0] =	wrdreg $0xFFFFFFFF;
	(pc) =	sbr.abs _section_cstart, $3  }
0xc0: {  	[dreg:$0x1] =	wrdreg $0xFFFFFFFF  }
0xc1: {  	_ =	task.clear_ibuf [dreg:s6], $0x2FFFF;
	_ =	strace $0x9FFFFFFF  }
0xc2: {  	(tm) =	ssettm $0x7FFFFFFF  }
0xc3: {  	_ =	shalt  }
tec
execute0_lowered:
.L_overlay_start_1:
0x0: {  	(tag) =	ssettag $0x1  }
0x1: {  	s0 =	rddreg [dreg:$0x0]  }
0x2: {  	s2 =	rddreg [dreg:$0x1]  }
0x3: {  	s1 =	srdreg.scid;
	s7 =	stileid.u32;
	s3 =	simm.s32 $0x0  }
0x4: {  	s12 =	simm.s32 $0x2780;
	s14 =	simm.s32 $0x9;
	s15 =	simm.s32 $0xA  }
0x5: {  	s16 =	simm.s32 $0x80;
	s17 =	simm.s32 $0x4F00;
	s21 =	simm.s32 $0xB  }
0x6: {  	s22 =	simm.s32 $0x1;
	s24 =	simm.s32 $0x7F00;
	s25 =	simm.s32 $0x7  }
0x7: {  	s26 =	simm.s32 $0xC;
	s28 =	simm.s32 $0x0;
	s1 =	sand.u32 $0x1, s1  }
0x8: {  	s4 =	sshll.u32 s7, $0x1;
	s9 =	smul.u32 $0x4F00, s7;
	[smem:$0x7FF] =	sst s3  }
0x9: {  	s7 =	sshll.u32 s7, $0x6;
	s4 =	sor.u32 s1, s4;
	s5 =	smul.u32 $0x4F000, s1  }
0xa: {  	_ =	strace $0x80000050;
	s1 =	ssub.s32 $0x2, s1;
	s6 =	smul.u32 $0x4F0, s4  }
0xb: {  	s4 =	sadd.s32 $0x1B400, s0;
	s31 =	sshrl.u32 s1, $0x1;
	s13 =	sadd.s32 s9, s2  }
0xc: {  	s5 =	sadd.s32 s9, s5;
	s1 =	ssub.s32 s1, s31;
	s9 =	sor.u32 $0x1C0B, s7  }
0xd: {  	s13 =	sshrl.u32 s13, $0x3;
	s8 =	sadd.s32 s6, s0;
	s30 =	sshrl.u32 s5, $0x3  }
0xe: {  	s5 =	sadd.s32 $0xC200, s0;
	s11 =	smax.u32 s1, $0x1;
	s0 =	sadd.s32 s30, s0  }
0xf: {  	s6 =	sadd.s32 $0x11600, s8;
	s8 =	sadd.s32 $0x2400, s8;
	s10 =	sadd.s32 $0x25200, s0  }
.LBB2_1:
0x10: {  	[tilespmem:s3], [sflag:$0x9] =	stream.linear.gather [hbm4b:s6+s3], $0x2780, $0x38;
	[tilespmem:$0xDE00] =	vst v63  }
0x11: {  	_ = 	snop  }
0x12: {  	[tilespmem:s12], [sflag:$0xA] =	stream.linear.gather [hbm4b:s8+s3], $0x2780, $0x38;
	[tilespmem:$0xDE00] =	vst v63  }
0x13: {  	[spmem:s13], [sflag:s9] =	dma.local [hbm:s5], $0x9E0  }
0x14: {  	_ =	swait.ge [sflag:s14], $0x2780  }
0x15: {  	[sflag:s14] =	ssyncset.done $0x0  }
0x16: {  	[sflag:s14] =	ssyncadd.s32 $0xFFFFD880  }
0x17: {  	_ =	swait.ge [sflag:s15], $0x2780  }
0x18: {  	[sflag:s15] =	ssyncset.done $0x0  }
0x19: {  	[sflag:s15] =	ssyncadd.s32 $0xFFFFD880  }
0x1a: {  	[tilespmem:s17], [sflag:$0x1] =	stream.indirect.gather [hbm4b:s4+s16], $0x20, s3, s16, $0xb8;
	[tilespmem:$0xDE00] =	vst v63  }
0x1b: {  	s0 =	simm.s32 $0x5F00  }
0x1c: {  	[tilespmem:s0], [sflag:$0x2] =	stream.indirect.gather [hbm4b:s4+s16], $0x20, s16, s16, $0xb8;
	[tilespmem:$0xDE00] =	vst v63  }
0x1d: {  	s23 =	simm.s32 $0x100;
	s1 =	simm.s32 $0x6F00  }
0x1e: {  	[tilespmem:s1], [sflag:$0x3] =	stream.indirect.gather [hbm4b:s4+s16], $0x20, s23, s16, $0xb8;
	[tilespmem:$0xDE00] =	vst v63  }
0x1f: {  	_ =	swait.ge [sflag:s21], $0x9E0  }
0x20: {  	[sflag:s21] =	ssyncset.done $0x0  }
0x21: {  	[sflag:s21] =	ssyncadd.s32 $0xFFFFF620  }
0x22: {  	[bflag:$0x0] =	sbarrier.arrive $0xFFFF  }
0x23: {  	s18 =	simm.s32 $0x180;
	_ =	swait.ge [sflag:s22], $0x1000  }
0x24: {  	s19 =	simm.s32 $0x1;
	s20 =	simm.s32 $0x4;
	[sflag:s22] =	ssyncset.done $0x0  }
0x25: {  	s30 =	simm.s32 $0x200;
	s0 =	sand.u32 $0x3, s19;
	[sflag:s22] =	ssyncadd.s32 $0xFFFFF000  }
0x26: {  	[spmem:s2] =	stream.indirect.scatter.add.f32 [tilespmem:s17], [sflag:$0x5], $0x20, s12, s16, $0xb8;
	[tilespmem:$0xDE00] =	vst v63  }
0x27: {  	s29 =	simm.s32 $0x5;
	p0 =	por $0x0, $0x0;
	s19 =	sadd.s32 $0x1, s0  }
0x28: {  	[tilespmem:s24], [sflag:$0x4] =	stream.indirect.gather [hbm4b:s4+s16], $0x20, s18, s16, $0xb8;
	[tilespmem:$0xDE00] =	vst v63  }
0x29: {  	s31 =	sshll.u32 s0, $0xC;
	s0 =	sadd.s32 $0x5, s0;
	_ =	swait.ge [sflag:s19], $0x1000  }
0x2a: {  	s1 =	sand.u32 $0x3, s20;
	s31 =	sor.u32 $0x4F00, s31;
	[sflag:s19] =	ssyncset.done $0x0  }
0x2b: {  	s23 =	sadd.s32 $0x5, s1;
	s18 =	simm.s32 $0x2800;
	[sflag:s19] =	ssyncadd.s32 $0xFFFFF000  }
0x2c: {  	[spmem:s2] =	stream.indirect.scatter.add.f32 [tilespmem:s31], [sflag:s0], $0x20, s18, s16, $0xb8;
	[tilespmem:$0xDE00] =	vst v63  }
0x2d: {  	s19 =	simm.s32 @!p0 $0x80;
	s18 =	sshll.u32 @!p0 s1, $0xC;
	_ =	swait.ge [sflag:s23], $0x1000  }
0x2e: {  	s1 =	sadd.s32 @!p0 $0x1, s1;
	s31 =	simm.s32 $0x2880;
	[sflag:s23] =	ssyncset.done $0x0  }
0x2f: {  	s0 =	simm.s32 $0x280;
	s18 =	sor.u32 @!p0 $0x4F00, s18;
	[sflag:s23] =	ssyncadd.s32 $0xFFFFF000  }
.LBB2_2:
0x30: {  	[tilespmem:s18], [sflag:s1] =	stream.indirect.gather @!p0 [hbm4b:s4+s19], $0x20, s30, s19, $0xb8;
	[tilespmem:$0xDE00] =	vst v63  }
0x31: {  	s1 =	sadd.s32 $0xFFFFFFFD, s29;
	s18 =	smov.u32 s29;
	s29 =	sadd.s32 $0x1, s29  }
0x32: {  	s30 =	smov.u32 s0;
	s19 =	sand.u32 $0x3, s1;
	p1 =	sne.s32 s29, $0x52  }
0x33: {  	s20 =	sshll.u32 s19, $0xC;
	s23 =	sadd.s32 $0x1, s19  }
0x34: {  	p0 =	sgt.u32 s1, $0x4B;
	s18 =	sand.u32 $0x3, s18;
	_ =	swait.ge [sflag:s23], $0x1000  }
0x35: {  	s1 =	sadd.s32 $0x5, s19;
	s19 =	sor.u32 $0x4F00, s20;
	[sflag:s23] =	ssyncset.done $0x0  }
.Ltmp0:
0x36: {  	s20 =	sadd.s32 $0x5, s18;
	[sflag:s23] =	ssyncadd.s32 $0xFFFFF000;
	(pc) =	sbr.rel @p1 .LBB2_2-.Ltmp0, $4  }
0x37: {  	[spmem:s2] =	stream.indirect.scatter.add.f32 [tilespmem:s19], [sflag:s1], $0x20, s31, s16, $0xb8;
	[tilespmem:$0xDE00] =	vst v63  }
0x38: {  	s19 =	sshll.u32 @!p0 s18, $0xC;
	s1 =	sadd.s32 @!p0 $0x1, s18;
	_ =	swait.ge [sflag:s20], $0x1000  }
0x39: {  	s0 =	sadd.s32 $0x80, s0;
	s31 =	sadd.s32 $0x80, s31;
	[sflag:s20] =	ssyncset.done $0x0  }
0x3a: {  	s18 =	sor.u32 @!p0 $0x4F00, s19;
	s19 =	simm.s32 @!p0 $0x80;
	[sflag:s20] =	ssyncadd.s32 $0xFFFFF000  }
0x3b: {  	[tilespmem:s18], [sflag:s1] =	stream.indirect.gather @!p0 [hbm4b:s4+s19], $0x20, s30, s19, $0xb8;
	[tilespmem:$0xDE00] =	vst v63  }
0x3c: {  	_ =	swait.ge [sflag:s25], $0x1000  }
0x3d: {  	s28 =	sadd.s32 $0x1, s28;
	[sflag:s25] =	ssyncset.done $0x0  }
0x3e: {  	p0 =	sne.s32 s28, s11;
	[sflag:s25] =	ssyncadd.s32 $0xFFFFF000  }
.Ltmp1:
0x3f: {  	s0 =	sor.u32 $0x1C0C, s7;
	[bflag:$0x0] =	sbarrier.arrive $0xFFFF;
	(pc) =	sbr.rel @p0 .LBB2_1-.Ltmp1, $4  }
0x40: {  	[hbm:s10], [sflag:s0] =	dma.local [spmem:s13], $0x9E0  }
0x41: {  	_ =	swait.ge [sflag:s26], $0x9E0  }
0x42: {  	[sflag:s26] =	ssyncset.done $0x0  }
0x43: {  	[sflag:s26] =	ssyncadd.s32 $0xFFFFF620  }
0x44: {  	_ =	sfence.sel $0x180000  }
0x45: {  	[bflag:$0x0] =	sbarrier.arrive $0xFFFF  }
0x46: {  	_ =	strace $0x90000050  }
0x47: {  	s0 =	stileid.u32;
	[bflag:$0x2] =	sbarrier.arrive $0xFFFF  }
0x48: {  	p0 =	sne.s32 s0, $0x0;
	s0 =	rddreg [dreg:$0x2]  }
0x49: {  	s0 =	sadd.s32 @!p0 $0x100000, s0  }
0x4a: {  	[sflag:s0] =	ssyncadd.tile.s32 @!p0 $0x1;
	_ =	shalt  }
.Lfunc_end2:
_tile_overlayer_lowered:
.L_overlay_start_2:
0x4b: {  	(tag) =	ssettag $0x2  }
0x4c: {  	s0 =	rddreg [dreg:$0x0];
	s2 =	stileid.u32  }
0x4d: {  	s1 =	rddreg [dreg:$0x1];
	p0 =	sne.s32 s2, $0x0  }
0x4e: {  	s3 =	rddreg [dreg:$0x2];
	[bflag:$0x3] =	sbarrier.arrive $0xFFFF;
	s2 =	simm.s32 @!p0 $0x1C0C  }
0x4f: {  	[timem:s3], [sflag:s2] =	dma.local @!p0 [hbm:s0], s1  }
0x50: {  	s0 =	simm.s32 @!p0 $0xC  }
0x51: {  	_ =	swait.ge @!p0 [sflag:s0], s1  }
0x52: {  	s1 =	ssub.s32 @!p0 $0x0, s1;
	[sflag:s0] =	ssyncset.done @!p0 $0x0  }
0x53: {  	[sflag:s0] =	ssyncadd.s32 @!p0 s1  }
0x54: {  	[bflag:$0x3] =	sbarrier.arrive $0xFFFF  }
0x55: {  	_ =	shalt  }

</sc_bundles>
